<compile_context>
chip_gen: v7x
topology: tpu7x:2x2x1
jax: 0.10.2.dev20260603
libtpu: 0.0.44.dev20260713+nightly
codegen_flags: <defaults>
</compile_context>

<pallas_src>
import dataclasses

import jax
import jax.numpy as jnp
from jax import lax
from jax.experimental import pallas as pl
from jax.experimental.pallas import tpu as pltpu
from jax.experimental.pallas import tpu_sc as plsc

D = 128
K = 20
R = K + 1
NC = 2
NS = 16
NW = NC * NS
L = 16
CHUNK = 16
GSPLIT = 112


def _build_sc_call(B):
    spw = B // NW
    n_chunks = spw // CHUNK
    u_rows = CHUNK * R

    mesh = plsc.VectorSubcoreMesh(core_axis_name="c", subcore_axis_name="s")

    def body(cw_hbm, uidx_hbm, cemb_hbm, uemb_hbm, pos_out, neg_out,
             cidx_v, uidx_v, cbuf, ubuf, stage, opos, oneg, sem0, sem1):
        wid = lax.axis_index("s") * NC + lax.axis_index("c")
        sbase = wid * spw
        pltpu.sync_copy(cw_hbm.at[pl.ds(sbase, spw)], cidx_v)
        pltpu.sync_copy(uidx_hbm.at[pl.ds(sbase * R, spw * R)], uidx_v)

        lanes = lax.iota(jnp.int32, L)
        scat_base = lanes * u_rows
        scat_o = lanes * K
        sems = (sem0, sem1)

        def fire(g, b):
            pltpu.async_copy(
                cemb_hbm.at[cidx_v.at[pl.ds(g * CHUNK, CHUNK)]],
                cbuf.at[b], sems[b])
            for p in range(u_rows // GSPLIT):
                pltpu.async_copy(
                    uemb_hbm.at[uidx_v.at[pl.ds(g * u_rows + p * GSPLIT,
                                                GSPLIT)]],
                    ubuf.at[b, pl.ds(p * GSPLIT, GSPLIT)], sems[b])

        def drain(b):
            pltpu.make_async_copy(
                cemb_hbm.at[pl.ds(0, CHUNK)], cbuf.at[b], sems[b]).wait()
            pltpu.make_async_copy(
                uemb_hbm.at[pl.ds(0, u_rows)], ubuf.at[b], sems[b]).wait()

        def compute(g, b):
            @plsc.parallel_loop(0, CHUNK, unroll=2)
            def _sample(i):
                v = [cbuf[b, i, pl.ds(t * L, L)] for t in range(D // L)]

                @plsc.parallel_loop(0, R, unroll=3)
                def _dot(j):
                    row = i * R + j
                    p = [v[t] * ubuf[b, row, pl.ds(t * L, L)]
                         for t in range(D // L)]
                    while len(p) > 1:
                        p = [p[t] + p[t + 1] for t in range(0, len(p), 2)]
                    plsc.store_scatter(stage, [scat_base + (j * CHUNK + i)],
                                       p[0])

            s = stage[pl.ds(0, L)]
            for t in range(1, L):
                s = s + stage[pl.ds(t * u_rows, L)]
            s = jnp.minimum(jnp.maximum(s, -10.0), 10.0)
            opos[pl.ds(g * CHUNK, L)] = s

            @plsc.parallel_loop(1, R, unroll=2)
            def _reduce(q):
                s = stage[pl.ds(q * L, L)]
                for t in range(1, L):
                    s = s + stage[pl.ds(t * u_rows + q * L, L)]
                s = jnp.minimum(jnp.maximum(s, -10.0), 10.0)
                plsc.store_scatter(
                    oneg, [scat_o + (g * CHUNK * K + q - 1)], s)

        fire(0, 0)

        @pl.loop(0, n_chunks, step=2)
        def _pair(g):
            fire(g + 1, 1)
            drain(0)
            compute(g, 0)

            @pl.when(g + 2 < n_chunks)
            def _():
                fire(g + 2, 0)

            drain(1)
            compute(g + 1, 1)

        pltpu.sync_copy(opos, pos_out.at[pl.ds(sbase, spw)])
        pltpu.sync_copy(oneg, neg_out.at[pl.ds(sbase * K, spw * K)])

    cp = pltpu.CompilerParams()
    if "needs_layout_passes" in pltpu.CompilerParams.__dataclass_fields__:
        cp = dataclasses.replace(cp, needs_layout_passes=False)
    return pl.kernel(
        body,
        out_type=(jax.ShapeDtypeStruct((B,), jnp.float32),
                  jax.ShapeDtypeStruct((B * K,), jnp.float32)),
        mesh=mesh,
        compiler_params=cp,
        scratch_types=[
            pltpu.VMEM((spw,), jnp.int32),
            pltpu.VMEM((spw * R,), jnp.int32),
            pltpu.VMEM((2, CHUNK, D), jnp.float32),
            pltpu.VMEM((2, u_rows, D), jnp.float32),
            pltpu.VMEM((L * u_rows,), jnp.float32),
            pltpu.VMEM((spw,), jnp.float32),
            pltpu.VMEM((spw * K,), jnp.float32),
            pltpu.SemaphoreType.DMA,
            pltpu.SemaphoreType.DMA,
        ],
    )


def kernel(center_words, context_words, negative_samples, center_emb,
           context_emb):
    B = center_words.shape[0]
    cw = center_words.astype(jnp.int32)
    u_idx = jnp.concatenate(
        [context_words.astype(jnp.int32)[:, None],
         negative_samples.astype(jnp.int32)], axis=1).reshape(B * R)
    pos, neg = _build_sc_call(B)(cw, u_idx, center_emb, context_emb)
    return pos, neg.reshape(B, K)

# --- scband reference (transcript-rebuilt; emitter-appended) ---
"""Pipeline reference for scband-skip-gram-model-50173807952719 (READ-ONLY COPY).

The authoritative reference and input builder live on the scoring server;
editing this copy changes nothing except your own understanding.
"""

import jax, jax.numpy as jnp
import numpy as np

VOCAB = 100000
DIM = 128
B = 16384
K_NEG = 20

def setup_inputs(seed: int = 0) -> dict:
    key = jax.random.key(seed)
    k1, k2, k3, k4, k5 = jax.random.split(key, 5)
    center_words = jax.random.randint(k1, (B,), 0, VOCAB, dtype=jnp.int64) if jax.config.jax_enable_x64 else jax.random.randint(k1, (B,), 0, VOCAB).astype(jnp.int32)
    context_words = jax.random.randint(k2, (B,), 0, VOCAB).astype(center_words.dtype)
    negative_samples = jax.random.randint(k3, (B, K_NEG), 0, VOCAB).astype(center_words.dtype)
    # learned parameters: two embedding tables initialized uniform(-1, 1)
    center_emb = jax.random.uniform(k4, (VOCAB, DIM), dtype=jnp.float32, minval=-1.0, maxval=1.0)
    context_emb = jax.random.uniform(k5, (VOCAB, DIM), dtype=jnp.float32, minval=-1.0, maxval=1.0)
    return {
        "center_words": center_words,
        "context_words": context_words,
        "negative_samples": negative_samples,
        "center_emb": center_emb,
        "context_emb": context_emb,
    }

def reference(center_words, context_words, negative_samples, center_emb, context_emb):
    # v_center = self.center_embeddings(center_words)  -> gather
    v_center = jnp.take(center_emb, center_words, axis=0)            # [B, D]
    # u_context = self.context_embeddings(context_words)
    u_context = jnp.take(context_emb, context_words, axis=0)          # [B, D]
    positive_score = jnp.sum(v_center * u_context, axis=1)            # [B]
    positive_score = jnp.clip(positive_score, -10.0, 10.0)
    # negative branch
    u_negative = jnp.take(context_emb, negative_samples, axis=0)      # [B, K, D]
    # torch.bmm(u_negative, v_center.unsqueeze(2)).squeeze(2)
    negative_score = jnp.einsum('bkd,bd->bk', u_negative, v_center)   # [B, K]
    negative_score = jnp.clip(negative_score, -10.0, 10.0)
    return (positive_score, negative_score)

if __name__ == "__main__":
    import jax
    _d = setup_inputs()
    print(jax.jit(kernel)(*tuple(_d.values())))

</pallas_src>

<mosaic_0001>
#map = affine_map<(d0, d1) -> (0)>
#map1 = affine_map<(d0, d1) -> (0, 0)>
module attributes {stable_mosaic.version = 14 : i64} {
  func.func @body(%arg0: i32, %arg1: i32, %arg2: memref<16384xi32, #tpu.memory_space<hbm>>, %arg3: memref<344064xi32, #tpu.memory_space<hbm>>, %arg4: memref<100000x128xf32, #tpu.memory_space<hbm>>, %arg5: memref<100000x128xf32, #tpu.memory_space<hbm>>, %arg6: memref<16384xf32, #tpu.memory_space<hbm>>, %arg7: memref<327680xf32, #tpu.memory_space<hbm>>, %arg8: memref<512xi32, #tpu.memory_space<vmem>>, %arg9: memref<10752xi32, #tpu.memory_space<vmem>>, %arg10: memref<2x16x128xf32, #tpu.memory_space<vmem>>, %arg11: memref<2x336x128xf32, #tpu.memory_space<vmem>>, %arg12: memref<5376xf32, #tpu.memory_space<vmem>>, %arg13: memref<512xf32, #tpu.memory_space<vmem>>, %arg14: memref<10240xf32, #tpu.memory_space<vmem>>, %arg15: memref<!tpu.dma_semaphore, #tpu.memory_space<semaphore_mem>>, %arg16: memref<!tpu.dma_semaphore, #tpu.memory_space<semaphore_mem>>) attributes {dimension_semantics = [#tpu.dimension_semantics<core_parallel>, #tpu.dimension_semantics<subcore_parallel>], iteration_bounds = array<i64: 2, 16>, scalar_prefetch = 0 : i64, scratch_operands = 9 : i64, tpu.core_type = #tpu.core_type<sc_vector_subcore>, window_params = [{transform_indices = #map}, {transform_indices = #map}, {transform_indices = #map1}, {transform_indices = #map1}, {transform_indices = #map}, {transform_indices = #map}]} {
    %mul3A = arith.constant 2 : i32
    %mul3A_0 = arith.muli %arg1, %mul3A : i32
    %add3A = arith.addi %mul3A_0, %arg0 : i32
    %mul3A_1 = arith.constant 512 : i32
    %mul3A_2 = arith.muli %add3A, %mul3A_1 : i32
    "tpu.region"() ({
      %run_scoped3A = tpu.sem_alloc : memref<!tpu.dma_semaphore, #tpu.memory_space<semaphore_mem>>
      %dma_start3A_56 = tpu.memref_slice %arg2[%mul3A_2] : memref<16384xi32, #tpu.memory_space<hbm>> -> memref<512xi32, #tpu.memory_space<hbm>>
      %dma_start3A_57 = tpu.memref_slice %arg2[%mul3A_2] : memref<16384xi32, #tpu.memory_space<hbm>> -> memref<512xi32, #tpu.memory_space<hbm>>
      tpu.enqueue_dma source(%dma_start3A_57 : memref<512xi32, #tpu.memory_space<hbm>>) target(%arg8 : memref<512xi32, #tpu.memory_space<vmem>>) target_semaphore(%run_scoped3A : memref<!tpu.dma_semaphore, #tpu.memory_space<semaphore_mem>>)
      %dma_wait3A = tpu.memref_slice %arg2[%mul3A_2] : memref<16384xi32, #tpu.memory_space<hbm>> -> memref<512xi32, #tpu.memory_space<hbm>>
      %dma_wait3A_58 = tpu.memref_slice %arg2[%mul3A_2] : memref<16384xi32, #tpu.memory_space<hbm>> -> memref<512xi32, #tpu.memory_space<hbm>>
      tpu.wait_dma2 semaphore(%run_scoped3A : memref<!tpu.dma_semaphore, #tpu.memory_space<semaphore_mem>>) src(%dma_wait3A_58 : memref<512xi32, #tpu.memory_space<hbm>>) dst(%arg8 : memref<512xi32, #tpu.memory_space<vmem>>)
      tpu.yield
    }) : () -> ()
    %mul3A_3 = arith.constant 21 : i32
    %mul3A_4 = arith.muli %mul3A_2, %mul3A_3 : i32
    "tpu.region"() ({
      %run_scoped3A = tpu.sem_alloc : memref<!tpu.dma_semaphore, #tpu.memory_space<semaphore_mem>>
      %dma_start3A_56 = tpu.memref_slice %arg3[%mul3A_4] : memref<344064xi32, #tpu.memory_space<hbm>> -> memref<10752xi32, #tpu.memory_space<hbm>>
      %dma_start3A_57 = tpu.memref_slice %arg3[%mul3A_4] : memref<344064xi32, #tpu.memory_space<hbm>> -> memref<10752xi32, #tpu.memory_space<hbm>>
      tpu.enqueue_dma source(%dma_start3A_57 : memref<10752xi32, #tpu.memory_space<hbm>>) target(%arg9 : memref<10752xi32, #tpu.memory_space<vmem>>) target_semaphore(%run_scoped3A : memref<!tpu.dma_semaphore, #tpu.memory_space<semaphore_mem>>)
      %dma_wait3A = tpu.memref_slice %arg3[%mul3A_4] : memref<344064xi32, #tpu.memory_space<hbm>> -> memref<10752xi32, #tpu.memory_space<hbm>>
      %dma_wait3A_58 = tpu.memref_slice %arg3[%mul3A_4] : memref<344064xi32, #tpu.memory_space<hbm>> -> memref<10752xi32, #tpu.memory_space<hbm>>
      tpu.wait_dma2 semaphore(%run_scoped3A : memref<!tpu.dma_semaphore, #tpu.memory_space<semaphore_mem>>) src(%dma_wait3A_58 : memref<10752xi32, #tpu.memory_space<hbm>>) dst(%arg9 : memref<10752xi32, #tpu.memory_space<vmem>>)
      tpu.yield
    }) : () -> ()
    %iota3A = tpu.iota {dimensions = array<i32: 0>} : vector<16xi32>
    %mul3A_5 = arith.constant 336 : i32
    %mul3A_6 = vector.broadcast %mul3A_5 : i32 to vector<16xi32>
    %mul3A_7 = arith.muli %iota3A, %mul3A_6 : vector<16xi32>
    %mul3A_8 = arith.constant 20 : i32
    %mul3A_9 = vector.broadcast %mul3A_8 : i32 to vector<16xi32>
    %mul3A_10 = arith.muli %iota3A, %mul3A_9 : vector<16xi32>
    %dma_start3A = arith.constant 0 : i32
    %dma_start3A_11 = arith.constant 0 : i32
    %dma_start3A_12 = arith.constant 0 : i32
    %dma_start3A_13 = tpu.memref_slice %arg10[%dma_start3A, %dma_start3A_11, %dma_start3A_12] : memref<2x16x128xf32, #tpu.memory_space<vmem>> -> memref<1x16x128xf32, #tpu.memory_space<vmem>>
    %dma_start3A_14 = tpu.memref_squeeze %dma_start3A_13 : memref<1x16x128xf32, #tpu.memory_space<vmem>> -> memref<16x128xf32, #tpu.memory_space<vmem>>
    %dma_start3A_15 = arith.constant 0 : i32
    %dma_start3A_16 = tpu.memref_slice %arg8[%dma_start3A_15] : memref<512xi32, #tpu.memory_space<vmem>> -> memref<16xi32, #tpu.memory_space<vmem>>
    %dma_start3A_17 = arith.constant 0 : i32
    %dma_start3A_18 = arith.constant 0 : i32
    %dma_start3A_19 = tpu.memref_slice %arg4[%dma_start3A_17, %dma_start3A_18] : memref<100000x128xf32, #tpu.memory_space<hbm>> -> memref<100000x128xf32, #tpu.memory_space<hbm>>
    tpu.enqueue_indirect_dma source(%dma_start3A_19 : memref<100000x128xf32, #tpu.memory_space<hbm>>) target(%dma_start3A_14 : memref<16x128xf32, #tpu.memory_space<vmem>>) offsets(%dma_start3A_16 : memref<16xi32, #tpu.memory_space<vmem>>) semaphore(%arg15 : memref<!tpu.dma_semaphore, #tpu.memory_space<semaphore_mem>>)
    %dma_start3A_20 = arith.constant 0 : i32
    %dma_start3A_21 = arith.constant 0 : i32
    %dma_start3A_22 = arith.constant 0 : i32
    %dma_start3A_23 = tpu.memref_slice %arg11[%dma_start3A_20, %dma_start3A_21, %dma_start3A_22] : memref<2x336x128xf32, #tpu.memory_space<vmem>> -> memref<1x112x128xf32, #tpu.memory_space<vmem>>
    %dma_start3A_24 = tpu.memref_squeeze %dma_start3A_23 : memref<1x112x128xf32, #tpu.memory_space<vmem>> -> memref<112x128xf32, #tpu.memory_space<vmem>>
    %dma_start3A_25 = arith.constant 0 : i32
    %dma_start3A_26 = tpu.memref_slice %arg9[%dma_start3A_25] : memref<10752xi32, #tpu.memory_space<vmem>> -> memref<112xi32, #tpu.memory_space<vmem>>
    %dma_start3A_27 = arith.constant 0 : i32
    %dma_start3A_28 = arith.constant 0 : i32
    %dma_start3A_29 = tpu.memref_slice %arg5[%dma_start3A_27, %dma_start3A_28] : memref<100000x128xf32, #tpu.memory_space<hbm>> -> memref<100000x128xf32, #tpu.memory_space<hbm>>
    tpu.enqueue_indirect_dma source(%dma_start3A_29 : memref<100000x128xf32, #tpu.memory_space<hbm>>) target(%dma_start3A_24 : memref<112x128xf32, #tpu.memory_space<vmem>>) offsets(%dma_start3A_26 : memref<112xi32, #tpu.memory_space<vmem>>) semaphore(%arg15 : memref<!tpu.dma_semaphore, #tpu.memory_space<semaphore_mem>>)
    %dma_start3A_30 = arith.constant 0 : i32
    %dma_start3A_31 = arith.constant 112 : i32
    %dma_start3A_32 = arith.constant 0 : i32
    %dma_start3A_33 = tpu.memref_slice %arg11[%dma_start3A_30, %dma_start3A_31, %dma_start3A_32] : memref<2x336x128xf32, #tpu.memory_space<vmem>> -> memref<1x112x128xf32, #tpu.memory_space<vmem>>
    %dma_start3A_34 = tpu.memref_squeeze %dma_start3A_33 : memref<1x112x128xf32, #tpu.memory_space<vmem>> -> memref<112x128xf32, #tpu.memory_space<vmem>>
    %dma_start3A_35 = arith.constant 112 : i32
    %dma_start3A_36 = tpu.memref_slice %arg9[%dma_start3A_35] : memref<10752xi32, #tpu.memory_space<vmem>> -> memref<112xi32, #tpu.memory_space<vmem>>
    %dma_start3A_37 = arith.constant 0 : i32
    %dma_start3A_38 = arith.constant 0 : i32
    %dma_start3A_39 = tpu.memref_slice %arg5[%dma_start3A_37, %dma_start3A_38] : memref<100000x128xf32, #tpu.memory_space<hbm>> -> memref<100000x128xf32, #tpu.memory_space<hbm>>
    tpu.enqueue_indirect_dma source(%dma_start3A_39 : memref<100000x128xf32, #tpu.memory_space<hbm>>) target(%dma_start3A_34 : memref<112x128xf32, #tpu.memory_space<vmem>>) offsets(%dma_start3A_36 : memref<112xi32, #tpu.memory_space<vmem>>) semaphore(%arg15 : memref<!tpu.dma_semaphore, #tpu.memory_space<semaphore_mem>>)
    %dma_start3A_40 = arith.constant 0 : i32
    %dma_start3A_41 = arith.constant 224 : i32
    %dma_start3A_42 = arith.constant 0 : i32
    %dma_start3A_43 = tpu.memref_slice %arg11[%dma_start3A_40, %dma_start3A_41, %dma_start3A_42] : memref<2x336x128xf32, #tpu.memory_space<vmem>> -> memref<1x112x128xf32, #tpu.memory_space<vmem>>
    %dma_start3A_44 = tpu.memref_squeeze %dma_start3A_43 : memref<1x112x128xf32, #tpu.memory_space<vmem>> -> memref<112x128xf32, #tpu.memory_space<vmem>>
    %dma_start3A_45 = arith.constant 224 : i32
    %dma_start3A_46 = tpu.memref_slice %arg9[%dma_start3A_45] : memref<10752xi32, #tpu.memory_space<vmem>> -> memref<112xi32, #tpu.memory_space<vmem>>
    %dma_start3A_47 = arith.constant 0 : i32
    %dma_start3A_48 = arith.constant 0 : i32
    %dma_start3A_49 = tpu.memref_slice %arg5[%dma_start3A_47, %dma_start3A_48] : memref<100000x128xf32, #tpu.memory_space<hbm>> -> memref<100000x128xf32, #tpu.memory_space<hbm>>
    tpu.enqueue_indirect_dma source(%dma_start3A_49 : memref<100000x128xf32, #tpu.memory_space<hbm>>) target(%dma_start3A_44 : memref<112x128xf32, #tpu.memory_space<vmem>>) offsets(%dma_start3A_46 : memref<112xi32, #tpu.memory_space<vmem>>) semaphore(%arg15 : memref<!tpu.dma_semaphore, #tpu.memory_space<semaphore_mem>>)
    %scan3A = arith.constant 0 : i32
    %scan3A_50 = arith.constant 16 : i32
    %scan3A_51 = arith.addi %scan3A, %scan3A_50 : i32
    %scan3A_52 = arith.constant 1 : i32
    scf.for %scan3A_56 = %scan3A to %scan3A_51 step %scan3A_52  : i32 {
      %mul3A_57 = arith.constant 2 : i32
      %mul3A_58 = arith.muli %scan3A_56, %mul3A_57 : i32
      %add3A_59 = arith.constant 0 : i32
      %add3A_60 = arith.addi %add3A_59, %mul3A_58 : i32
      %add3A_61 = arith.constant 1 : i32
      %add3A_62 = arith.addi %add3A_60, %add3A_61 : i32
      %mul3A_63 = arith.constant 16 : i32
      %mul3A_64 = arith.muli %add3A_62, %mul3A_63 : i32
      %dma_start3A_65 = arith.constant 1 : i32
      %dma_start3A_66 = arith.constant 0 : i32
      %dma_start3A_67 = arith.constant 0 : i32
      %dma_start3A_68 = tpu.memref_slice %arg10[%dma_start3A_65, %dma_start3A_66, %dma_start3A_67] : memref<2x16x128xf32, #tpu.memory_space<vmem>> -> memref<1x16x128xf32, #tpu.memory_space<vmem>>
      %dma_start3A_69 = tpu.memref_squeeze %dma_start3A_68 : memref<1x16x128xf32, #tpu.memory_space<vmem>> -> memref<16x128xf32, #tpu.memory_space<vmem>>
      %dma_start3A_70 = tpu.memref_slice %arg8[%mul3A_64] : memref<512xi32, #tpu.memory_space<vmem>> -> memref<16xi32, #tpu.memory_space<vmem>>
      %dma_start3A_71 = arith.constant 0 : i32
      %dma_start3A_72 = arith.constant 0 : i32
      %dma_start3A_73 = tpu.memref_slice %arg4[%dma_start3A_71, %dma_start3A_72] : memref<100000x128xf32, #tpu.memory_space<hbm>> -> memref<100000x128xf32, #tpu.memory_space<hbm>>
      tpu.enqueue_indirect_dma source(%dma_start3A_73 : memref<100000x128xf32, #tpu.memory_space<hbm>>) target(%dma_start3A_69 : memref<16x128xf32, #tpu.memory_space<vmem>>) offsets(%dma_start3A_70 : memref<16xi32, #tpu.memory_space<vmem>>) semaphore(%arg16 : memref<!tpu.dma_semaphore, #tpu.memory_space<semaphore_mem>>)
      %mul3A_74 = arith.constant 336 : i32
      %mul3A_75 = arith.muli %add3A_62, %mul3A_74 : i32
      %add3A_76 = arith.constant 0 : i32
      %add3A_77 = arith.addi %mul3A_75, %add3A_76 : i32
      %dma_start3A_78 = arith.constant 1 : i32
      %dma_start3A_79 = arith.constant 0 : i32
      %dma_start3A_80 = arith.constant 0 : i32
      %dma_start3A_81 = tpu.memref_slice %arg11[%dma_start3A_78, %dma_start3A_79, %dma_start3A_80] : memref<2x336x128xf32, #tpu.memory_space<vmem>> -> memref<1x112x128xf32, #tpu.memory_space<vmem>>
      %dma_start3A_82 = tpu.memref_squeeze %dma_start3A_81 : memref<1x112x128xf32, #tpu.memory_space<vmem>> -> memref<112x128xf32, #tpu.memory_space<vmem>>
      %dma_start3A_83 = tpu.memref_slice %arg9[%add3A_77] : memref<10752xi32, #tpu.memory_space<vmem>> -> memref<112xi32, #tpu.memory_space<vmem>>
      %dma_start3A_84 = arith.constant 0 : i32
      %dma_start3A_85 = arith.constant 0 : i32
      %dma_start3A_86 = tpu.memref_slice %arg5[%dma_start3A_84, %dma_start3A_85] : memref<100000x128xf32, #tpu.memory_space<hbm>> -> memref<100000x128xf32, #tpu.memory_space<hbm>>
      tpu.enqueue_indirect_dma source(%dma_start3A_86 : memref<100000x128xf32, #tpu.memory_space<hbm>>) target(%dma_start3A_82 : memref<112x128xf32, #tpu.memory_space<vmem>>) offsets(%dma_start3A_83 : memref<112xi32, #tpu.memory_space<vmem>>) semaphore(%arg16 : memref<!tpu.dma_semaphore, #tpu.memory_space<semaphore_mem>>)
      %mul3A_87 = arith.constant 336 : i32
      %mul3A_88 = arith.muli %add3A_62, %mul3A_87 : i32
      %add3A_89 = arith.constant 112 : i32
      %add3A_90 = arith.addi %mul3A_88, %add3A_89 : i32
      %dma_start3A_91 = arith.constant 1 : i32
      %dma_start3A_92 = arith.constant 112 : i32
      %dma_start3A_93 = arith.constant 0 : i32
      %dma_start3A_94 = tpu.memref_slice %arg11[%dma_start3A_91, %dma_start3A_92, %dma_start3A_93] : memref<2x336x128xf32, #tpu.memory_space<vmem>> -> memref<1x112x128xf32, #tpu.memory_space<vmem>>
      %dma_start3A_95 = tpu.memref_squeeze %dma_start3A_94 : memref<1x112x128xf32, #tpu.memory_space<vmem>> -> memref<112x128xf32, #tpu.memory_space<vmem>>
      %dma_start3A_96 = tpu.memref_slice %arg9[%add3A_90] : memref<10752xi32, #tpu.memory_space<vmem>> -> memref<112xi32, #tpu.memory_space<vmem>>
      %dma_start3A_97 = arith.constant 0 : i32
      %dma_start3A_98 = arith.constant 0 : i32
      %dma_start3A_99 = tpu.memref_slice %arg5[%dma_start3A_97, %dma_start3A_98] : memref<100000x128xf32, #tpu.memory_space<hbm>> -> memref<100000x128xf32, #tpu.memory_space<hbm>>
      tpu.enqueue_indirect_dma source(%dma_start3A_99 : memref<100000x128xf32, #tpu.memory_space<hbm>>) target(%dma_start3A_95 : memref<112x128xf32, #tpu.memory_space<vmem>>) offsets(%dma_start3A_96 : memref<112xi32, #tpu.memory_space<vmem>>) semaphore(%arg16 : memref<!tpu.dma_semaphore, #tpu.memory_space<semaphore_mem>>)
      %mul3A_100 = arith.constant 336 : i32
      %mul3A_101 = arith.muli %add3A_62, %mul3A_100 : i32
      %add3A_102 = arith.constant 224 : i32
      %add3A_103 = arith.addi %mul3A_101, %add3A_102 : i32
      %dma_start3A_104 = arith.constant 1 : i32
      %dma_start3A_105 = arith.constant 224 : i32
      %dma_start3A_106 = arith.constant 0 : i32
      %dma_start3A_107 = tpu.memref_slice %arg11[%dma_start3A_104, %dma_start3A_105, %dma_start3A_106] : memref<2x336x128xf32, #tpu.memory_space<vmem>> -> memref<1x112x128xf32, #tpu.memory_space<vmem>>
      %dma_start3A_108 = tpu.memref_squeeze %dma_start3A_107 : memref<1x112x128xf32, #tpu.memory_space<vmem>> -> memref<112x128xf32, #tpu.memory_space<vmem>>
      %dma_start3A_109 = tpu.memref_slice %arg9[%add3A_103] : memref<10752xi32, #tpu.memory_space<vmem>> -> memref<112xi32, #tpu.memory_space<vmem>>
      %dma_start3A_110 = arith.constant 0 : i32
      %dma_start3A_111 = arith.constant 0 : i32
      %dma_start3A_112 = tpu.memref_slice %arg5[%dma_start3A_110, %dma_start3A_111] : memref<100000x128xf32, #tpu.memory_space<hbm>> -> memref<100000x128xf32, #tpu.memory_space<hbm>>
      tpu.enqueue_indirect_dma source(%dma_start3A_112 : memref<100000x128xf32, #tpu.memory_space<hbm>>) target(%dma_start3A_108 : memref<112x128xf32, #tpu.memory_space<vmem>>) offsets(%dma_start3A_109 : memref<112xi32, #tpu.memory_space<vmem>>) semaphore(%arg16 : memref<!tpu.dma_semaphore, #tpu.memory_space<semaphore_mem>>)
      %dma_wait3A = arith.constant 0 : i32
      %dma_wait3A_113 = arith.constant 0 : i32
      %dma_wait3A_114 = arith.constant 0 : i32
      %dma_wait3A_115 = tpu.memref_slice %arg10[%dma_wait3A, %dma_wait3A_113, %dma_wait3A_114] : memref<2x16x128xf32, #tpu.memory_space<vmem>> -> memref<1x16x128xf32, #tpu.memory_space<vmem>>
      %dma_wait3A_116 = tpu.memref_squeeze %dma_wait3A_115 : memref<1x16x128xf32, #tpu.memory_space<vmem>> -> memref<16x128xf32, #tpu.memory_space<vmem>>
      %dma_wait3A_117 = arith.constant 0 : i32
      %dma_wait3A_118 = arith.constant 0 : i32
      %dma_wait3A_119 = tpu.memref_slice %arg4[%dma_wait3A_117, %dma_wait3A_118] : memref<100000x128xf32, #tpu.memory_space<hbm>> -> memref<16x128xf32, #tpu.memory_space<hbm>>
      %dma_wait3A_120 = arith.constant 0 : i32
      %dma_wait3A_121 = arith.constant 0 : i32
      %dma_wait3A_122 = tpu.memref_slice %arg10[%dma_wait3A, %dma_wait3A_120, %dma_wait3A_121] : memref<2x16x128xf32, #tpu.memory_space<vmem>> -> memref<1x16x128xf32, #tpu.memory_space<vmem>>
      %dma_wait3A_123 = tpu.memref_squeeze %dma_wait3A_122 : memref<1x16x128xf32, #tpu.memory_space<vmem>> -> memref<16x128xf32, #tpu.memory_space<vmem>>
      %dma_wait3A_124 = arith.constant 0 : i32
      %dma_wait3A_125 = arith.constant 0 : i32
      %dma_wait3A_126 = tpu.memref_slice %arg4[%dma_wait3A_124, %dma_wait3A_125] : memref<100000x128xf32, #tpu.memory_space<hbm>> -> memref<16x128xf32, #tpu.memory_space<hbm>>
      tpu.wait_dma2 semaphore(%arg15 : memref<!tpu.dma_semaphore, #tpu.memory_space<semaphore_mem>>) src(%dma_wait3A_126 : memref<16x128xf32, #tpu.memory_space<hbm>>) dst(%dma_wait3A_123 : memref<16x128xf32, #tpu.memory_space<vmem>>)
      %dma_wait3A_127 = arith.constant 0 : i32
      %dma_wait3A_128 = arith.constant 0 : i32
      %dma_wait3A_129 = arith.constant 0 : i32
      %dma_wait3A_130 = tpu.memref_slice %arg11[%dma_wait3A_127, %dma_wait3A_128, %dma_wait3A_129] : memref<2x336x128xf32, #tpu.memory_space<vmem>> -> memref<1x336x128xf32, #tpu.memory_space<vmem>>
      %dma_wait3A_131 = tpu.memref_squeeze %dma_wait3A_130 : memref<1x336x128xf32, #tpu.memory_space<vmem>> -> memref<336x128xf32, #tpu.memory_space<vmem>>
      %dma_wait3A_132 = arith.constant 0 : i32
      %dma_wait3A_133 = arith.constant 0 : i32
      %dma_wait3A_134 = tpu.memref_slice %arg5[%dma_wait3A_132, %dma_wait3A_133] : memref<100000x128xf32, #tpu.memory_space<hbm>> -> memref<336x128xf32, #tpu.memory_space<hbm>>
      %dma_wait3A_135 = arith.constant 0 : i32
      %dma_wait3A_136 = arith.constant 0 : i32
      %dma_wait3A_137 = tpu.memref_slice %arg11[%dma_wait3A_127, %dma_wait3A_135, %dma_wait3A_136] : memref<2x336x128xf32, #tpu.memory_space<vmem>> -> memref<1x336x128xf32, #tpu.memory_space<vmem>>
      %dma_wait3A_138 = tpu.memref_squeeze %dma_wait3A_137 : memref<1x336x128xf32, #tpu.memory_space<vmem>> -> memref<336x128xf32, #tpu.memory_space<vmem>>
      %dma_wait3A_139 = arith.constant 0 : i32
      %dma_wait3A_140 = arith.constant 0 : i32
      %dma_wait3A_141 = tpu.memref_slice %arg5[%dma_wait3A_139, %dma_wait3A_140] : memref<100000x128xf32, #tpu.memory_space<hbm>> -> memref<336x128xf32, #tpu.memory_space<hbm>>
      tpu.wait_dma2 semaphore(%arg15 : memref<!tpu.dma_semaphore, #tpu.memory_space<semaphore_mem>>) src(%dma_wait3A_141 : memref<336x128xf32, #tpu.memory_space<hbm>>) dst(%dma_wait3A_138 : memref<336x128xf32, #tpu.memory_space<vmem>>)
      %parallel_loop3A = arith.constant 0 : i32
      %parallel_loop3A_142 = arith.constant 16 : i32
      %parallel_loop3A_143 = arith.constant 1 : i32
      scf.for %parallel_loop3A_299 = %parallel_loop3A to %parallel_loop3A_142 step %parallel_loop3A_143  : i32 {
        %parallel_loop3A_300 = arith.constant 0 : i32
        %parallel_loop3A_301 = arith.index_cast %parallel_loop3A_300 : i32 to index
        %parallel_loop3A_302 = arith.index_cast %parallel_loop3A_299 : i32 to index
        %parallel_loop3A_303 = arith.constant 0 : index
        %parallel_loop3A_304 = tpu.vector_load %arg10[%parallel_loop3A_301, %parallel_loop3A_302, %parallel_loop3A_303] {strides = array<i32>} : memref<2x16x128xf32, #tpu.memory_space<vmem>>, vector<16xf32>,
        %parallel_loop3A_305 = arith.constant 0 : i32
        %parallel_loop3A_306 = arith.index_cast %parallel_loop3A_305 : i32 to index
        %parallel_loop3A_307 = arith.index_cast %parallel_loop3A_299 : i32 to index
        %parallel_loop3A_308 = arith.constant 16 : index
        %parallel_loop3A_309 = tpu.vector_load %arg10[%parallel_loop3A_306, %parallel_loop3A_307, %parallel_loop3A_308] {strides = array<i32>} : memref<2x16x128xf32, #tpu.memory_space<vmem>>, vector<16xf32>,
        %parallel_loop3A_310 = arith.constant 0 : i32
        %parallel_loop3A_311 = arith.index_cast %parallel_loop3A_310 : i32 to index
        %parallel_loop3A_312 = arith.index_cast %parallel_loop3A_299 : i32 to index
        %parallel_loop3A_313 = arith.constant 32 : index
        %parallel_loop3A_314 = tpu.vector_load %arg10[%parallel_loop3A_311, %parallel_loop3A_312, %parallel_loop3A_313] {strides = array<i32>} : memref<2x16x128xf32, #tpu.memory_space<vmem>>, vector<16xf32>,
        %parallel_loop3A_315 = arith.constant 0 : i32
        %parallel_loop3A_316 = arith.index_cast %parallel_loop3A_315 : i32 to index
        %parallel_loop3A_317 = arith.index_cast %parallel_loop3A_299 : i32 to index
        %parallel_loop3A_318 = arith.constant 48 : index
        %parallel_loop3A_319 = tpu.vector_load %arg10[%parallel_loop3A_316, %parallel_loop3A_317, %parallel_loop3A_318] {strides = array<i32>} : memref<2x16x128xf32, #tpu.memory_space<vmem>>, vector<16xf32>,
        %parallel_loop3A_320 = arith.constant 0 : i32
        %parallel_loop3A_321 = arith.index_cast %parallel_loop3A_320 : i32 to index
        %parallel_loop3A_322 = arith.index_cast %parallel_loop3A_299 : i32 to index
        %parallel_loop3A_323 = arith.constant 64 : index
        %parallel_loop3A_324 = tpu.vector_load %arg10[%parallel_loop3A_321, %parallel_loop3A_322, %parallel_loop3A_323] {strides = array<i32>} : memref<2x16x128xf32, #tpu.memory_space<vmem>>, vector<16xf32>,
        %parallel_loop3A_325 = arith.constant 0 : i32
        %parallel_loop3A_326 = arith.index_cast %parallel_loop3A_325 : i32 to index
        %parallel_loop3A_327 = arith.index_cast %parallel_loop3A_299 : i32 to index
        %parallel_loop3A_328 = arith.constant 80 : index
        %parallel_loop3A_329 = tpu.vector_load %arg10[%parallel_loop3A_326, %parallel_loop3A_327, %parallel_loop3A_328] {strides = array<i32>} : memref<2x16x128xf32, #tpu.memory_space<vmem>>, vector<16xf32>,
        %parallel_loop3A_330 = arith.constant 0 : i32
        %parallel_loop3A_331 = arith.index_cast %parallel_loop3A_330 : i32 to index
        %parallel_loop3A_332 = arith.index_cast %parallel_loop3A_299 : i32 to index
        %parallel_loop3A_333 = arith.constant 96 : index
        %parallel_loop3A_334 = tpu.vector_load %arg10[%parallel_loop3A_331, %parallel_loop3A_332, %parallel_loop3A_333] {strides = array<i32>} : memref<2x16x128xf32, #tpu.memory_space<vmem>>, vector<16xf32>,
        %parallel_loop3A_335 = arith.constant 0 : i32
        %parallel_loop3A_336 = arith.index_cast %parallel_loop3A_335 : i32 to index
        %parallel_loop3A_337 = arith.index_cast %parallel_loop3A_299 : i32 to index
        %parallel_loop3A_338 = arith.constant 112 : index
        %parallel_loop3A_339 = tpu.vector_load %arg10[%parallel_loop3A_336, %parallel_loop3A_337, %parallel_loop3A_338] {strides = array<i32>} : memref<2x16x128xf32, #tpu.memory_space<vmem>>, vector<16xf32>,
        %parallel_loop3A_340 = arith.constant 0 : i32
        %parallel_loop3A_341 = arith.constant 21 : i32
        %parallel_loop3A_342 = arith.constant 1 : i32
        scf.for %parallel_loop3A_343 = %parallel_loop3A_340 to %parallel_loop3A_341 step %parallel_loop3A_342  : i32 {
          %parallel_loop3A_344 = arith.constant 21 : i32
          %parallel_loop3A_345 = arith.muli %parallel_loop3A_299, %parallel_loop3A_344 : i32
          %parallel_loop3A_346 = arith.addi %parallel_loop3A_345, %parallel_loop3A_343 : i32
          %parallel_loop3A_347 = arith.constant 0 : i32
          %parallel_loop3A_348 = arith.index_cast %parallel_loop3A_347 : i32 to index
          %parallel_loop3A_349 = arith.index_cast %parallel_loop3A_346 : i32 to index
          %parallel_loop3A_350 = arith.constant 0 : index
          %parallel_loop3A_351 = tpu.vector_load %arg11[%parallel_loop3A_348, %parallel_loop3A_349, %parallel_loop3A_350] {strides = array<i32>} : memref<2x336x128xf32, #tpu.memory_space<vmem>>, vector<16xf32>,
          %parallel_loop3A_352 = arith.mulf %parallel_loop3A_304, %parallel_loop3A_351 : vector<16xf32>
          %parallel_loop3A_353 = arith.constant 0 : i32
          %parallel_loop3A_354 = arith.index_cast %parallel_loop3A_353 : i32 to index
          %parallel_loop3A_355 = arith.index_cast %parallel_loop3A_346 : i32 to index
          %parallel_loop3A_356 = arith.constant 16 : index
          %parallel_loop3A_357 = tpu.vector_load %arg11[%parallel_loop3A_354, %parallel_loop3A_355, %parallel_loop3A_356] {strides = array<i32>} : memref<2x336x128xf32, #tpu.memory_space<vmem>>, vector<16xf32>,
          %parallel_loop3A_358 = arith.mulf %parallel_loop3A_309, %parallel_loop3A_357 : vector<16xf32>
          %parallel_loop3A_359 = arith.constant 0 : i32
          %parallel_loop3A_360 = arith.index_cast %parallel_loop3A_359 : i32 to index
          %parallel_loop3A_361 = arith.index_cast %parallel_loop3A_346 : i32 to index
          %parallel_loop3A_362 = arith.constant 32 : index
          %parallel_loop3A_363 = tpu.vector_load %arg11[%parallel_loop3A_360, %parallel_loop3A_361, %parallel_loop3A_362] {strides = array<i32>} : memref<2x336x128xf32, #tpu.memory_space<vmem>>, vector<16xf32>,
          %parallel_loop3A_364 = arith.mulf %parallel_loop3A_314, %parallel_loop3A_363 : vector<16xf32>
          %parallel_loop3A_365 = arith.constant 0 : i32
          %parallel_loop3A_366 = arith.index_cast %parallel_loop3A_365 : i32 to index
          %parallel_loop3A_367 = arith.index_cast %parallel_loop3A_346 : i32 to index
          %parallel_loop3A_368 = arith.constant 48 : index
          %parallel_loop3A_369 = tpu.vector_load %arg11[%parallel_loop3A_366, %parallel_loop3A_367, %parallel_loop3A_368] {strides = array<i32>} : memref<2x336x128xf32, #tpu.memory_space<vmem>>, vector<16xf32>,
          %parallel_loop3A_370 = arith.mulf %parallel_loop3A_319, %parallel_loop3A_369 : vector<16xf32>
          %parallel_loop3A_371 = arith.constant 0 : i32
          %parallel_loop3A_372 = arith.index_cast %parallel_loop3A_371 : i32 to index
          %parallel_loop3A_373 = arith.index_cast %parallel_loop3A_346 : i32 to index
          %parallel_loop3A_374 = arith.constant 64 : index
          %parallel_loop3A_375 = tpu.vector_load %arg11[%parallel_loop3A_372, %parallel_loop3A_373, %parallel_loop3A_374] {strides = array<i32>} : memref<2x336x128xf32, #tpu.memory_space<vmem>>, vector<16xf32>,
          %parallel_loop3A_376 = arith.mulf %parallel_loop3A_324, %parallel_loop3A_375 : vector<16xf32>
          %parallel_loop3A_377 = arith.constant 0 : i32
          %parallel_loop3A_378 = arith.index_cast %parallel_loop3A_377 : i32 to index
          %parallel_loop3A_379 = arith.index_cast %parallel_loop3A_346 : i32 to index
          %parallel_loop3A_380 = arith.constant 80 : index
          %parallel_loop3A_381 = tpu.vector_load %arg11[%parallel_loop3A_378, %parallel_loop3A_379, %parallel_loop3A_380] {strides = array<i32>} : memref<2x336x128xf32, #tpu.memory_space<vmem>>, vector<16xf32>,
          %parallel_loop3A_382 = arith.mulf %parallel_loop3A_329, %parallel_loop3A_381 : vector<16xf32>
          %parallel_loop3A_383 = arith.constant 0 : i32
          %parallel_loop3A_384 = arith.index_cast %parallel_loop3A_383 : i32 to index
          %parallel_loop3A_385 = arith.index_cast %parallel_loop3A_346 : i32 to index
          %parallel_loop3A_386 = arith.constant 96 : index
          %parallel_loop3A_387 = tpu.vector_load %arg11[%parallel_loop3A_384, %parallel_loop3A_385, %parallel_loop3A_386] {strides = array<i32>} : memref<2x336x128xf32, #tpu.memory_space<vmem>>, vector<16xf32>,
          %parallel_loop3A_388 = arith.mulf %parallel_loop3A_334, %parallel_loop3A_387 : vector<16xf32>
          %parallel_loop3A_389 = arith.constant 0 : i32
          %parallel_loop3A_390 = arith.index_cast %parallel_loop3A_389 : i32 to index
          %parallel_loop3A_391 = arith.index_cast %parallel_loop3A_346 : i32 to index
          %parallel_loop3A_392 = arith.constant 112 : index
          %parallel_loop3A_393 = tpu.vector_load %arg11[%parallel_loop3A_390, %parallel_loop3A_391, %parallel_loop3A_392] {strides = array<i32>} : memref<2x336x128xf32, #tpu.memory_space<vmem>>, vector<16xf32>,
          %parallel_loop3A_394 = arith.mulf %parallel_loop3A_339, %parallel_loop3A_393 : vector<16xf32>
          %parallel_loop3A_395 = arith.addf %parallel_loop3A_352, %parallel_loop3A_358 : vector<16xf32>
          %parallel_loop3A_396 = arith.addf %parallel_loop3A_364, %parallel_loop3A_370 : vector<16xf32>
          %parallel_loop3A_397 = arith.addf %parallel_loop3A_376, %parallel_loop3A_382 : vector<16xf32>
          %parallel_loop3A_398 = arith.addf %parallel_loop3A_388, %parallel_loop3A_394 : vector<16xf32>
          %parallel_loop3A_399 = arith.addf %parallel_loop3A_395, %parallel_loop3A_396 : vector<16xf32>
          %parallel_loop3A_400 = arith.addf %parallel_loop3A_397, %parallel_loop3A_398 : vector<16xf32>
          %parallel_loop3A_401 = arith.addf %parallel_loop3A_399, %parallel_loop3A_400 : vector<16xf32>
          %parallel_loop3A_402 = arith.constant 16 : i32
          %parallel_loop3A_403 = arith.muli %parallel_loop3A_343, %parallel_loop3A_402 : i32
          %parallel_loop3A_404 = arith.addi %parallel_loop3A_403, %parallel_loop3A_299 : i32
          %parallel_loop3A_405 = vector.broadcast %parallel_loop3A_404 : i32 to vector<16xi32>
          %parallel_loop3A_406 = arith.addi %mul3A_7, %parallel_loop3A_405 : vector<16xi32>
          tpu.vector_store_idx %arg12[%parallel_loop3A_406], %parallel_loop3A_401 : memref<5376xf32, #tpu.memory_space<vmem>>[vector<16xi32>], vector<16xf32>,
        } {sc.loop_unroll_factor = 3 : i64, sc.parallel_access}
      } {sc.loop_unroll_factor = 2 : i64, sc.parallel_access}
      %get3A = arith.constant 0 : index
      %get3A_144 = tpu.vector_load %arg12[%get3A] {strides = array<i32>} : memref<5376xf32, #tpu.memory_space<vmem>>, vector<16xf32>,
      %get3A_145 = arith.constant 336 : index
      %get3A_146 = tpu.vector_load %arg12[%get3A_145] {strides = array<i32>} : memref<5376xf32, #tpu.memory_space<vmem>>, vector<16xf32>,
      %add3A_147 = arith.addf %get3A_144, %get3A_146 : vector<16xf32>
      %get3A_148 = arith.constant 672 : index
      %get3A_149 = tpu.vector_load %arg12[%get3A_148] {strides = array<i32>} : memref<5376xf32, #tpu.memory_space<vmem>>, vector<16xf32>,
      %add3A_150 = arith.addf %add3A_147, %get3A_149 : vector<16xf32>
      %get3A_151 = arith.constant 1008 : index
      %get3A_152 = tpu.vector_load %arg12[%get3A_151] {strides = array<i32>} : memref<5376xf32, #tpu.memory_space<vmem>>, vector<16xf32>,
      %add3A_153 = arith.addf %add3A_150, %get3A_152 : vector<16xf32>
      %get3A_154 = arith.constant 1344 : index
      %get3A_155 = tpu.vector_load %arg12[%get3A_154] {strides = array<i32>} : memref<5376xf32, #tpu.memory_space<vmem>>, vector<16xf32>,
      %add3A_156 = arith.addf %add3A_153, %get3A_155 : vector<16xf32>
      %get3A_157 = arith.constant 1680 : index
      %get3A_158 = tpu.vector_load %arg12[%get3A_157] {strides = array<i32>} : memref<5376xf32, #tpu.memory_space<vmem>>, vector<16xf32>,
      %add3A_159 = arith.addf %add3A_156, %get3A_158 : vector<16xf32>
      %get3A_160 = arith.constant 2016 : index
      %get3A_161 = tpu.vector_load %arg12[%get3A_160] {strides = array<i32>} : memref<5376xf32, #tpu.memory_space<vmem>>, vector<16xf32>,
      %add3A_162 = arith.addf %add3A_159, %get3A_161 : vector<16xf32>
      %get3A_163 = arith.constant 2352 : index
      %get3A_164 = tpu.vector_load %arg12[%get3A_163] {strides = array<i32>} : memref<5376xf32, #tpu.memory_space<vmem>>, vector<16xf32>,
      %add3A_165 = arith.addf %add3A_162, %get3A_164 : vector<16xf32>
      %get3A_166 = arith.constant 2688 : index
      %get3A_167 = tpu.vector_load %arg12[%get3A_166] {strides = array<i32>} : memref<5376xf32, #tpu.memory_space<vmem>>, vector<16xf32>,
      %add3A_168 = arith.addf %add3A_165, %get3A_167 : vector<16xf32>
      %get3A_169 = arith.constant 3024 : index
      %get3A_170 = tpu.vector_load %arg12[%get3A_169] {strides = array<i32>} : memref<5376xf32, #tpu.memory_space<vmem>>, vector<16xf32>,
      %add3A_171 = arith.addf %add3A_168, %get3A_170 : vector<16xf32>
      %get3A_172 = arith.constant 3360 : index
      %get3A_173 = tpu.vector_load %arg12[%get3A_172] {strides = array<i32>} : memref<5376xf32, #tpu.memory_space<vmem>>, vector<16xf32>,
      %add3A_174 = arith.addf %add3A_171, %get3A_173 : vector<16xf32>
      %get3A_175 = arith.constant 3696 : index
      %get3A_176 = tpu.vector_load %arg12[%get3A_175] {strides = array<i32>} : memref<5376xf32, #tpu.memory_space<vmem>>, vector<16xf32>,
      %add3A_177 = arith.addf %add3A_174, %get3A_176 : vector<16xf32>
      %get3A_178 = arith.constant 4032 : index
      %get3A_179 = tpu.vector_load %arg12[%get3A_178] {strides = array<i32>} : memref<5376xf32, #tpu.memory_space<vmem>>, vector<16xf32>,
      %add3A_180 = arith.addf %add3A_177, %get3A_179 : vector<16xf32>
      %get3A_181 = arith.constant 4368 : index
      %get3A_182 = tpu.vector_load %arg12[%get3A_181] {strides = array<i32>} : memref<5376xf32, #tpu.memory_space<vmem>>, vector<16xf32>,
      %add3A_183 = arith.addf %add3A_180, %get3A_182 : vector<16xf32>
      %get3A_184 = arith.constant 4704 : index
      %get3A_185 = tpu.vector_load %arg12[%get3A_184] {strides = array<i32>} : memref<5376xf32, #tpu.memory_space<vmem>>, vector<16xf32>,
      %add3A_186 = arith.addf %add3A_183, %get3A_185 : vector<16xf32>
      %get3A_187 = arith.constant 5040 : index
      %get3A_188 = tpu.vector_load %arg12[%get3A_187] {strides = array<i32>} : memref<5376xf32, #tpu.memory_space<vmem>>, vector<16xf32>,
      %add3A_189 = arith.addf %add3A_186, %get3A_188 : vector<16xf32>
      %max3A = arith.constant -1.000000e+01 : f32
      %max3A_190 = vector.broadcast %max3A : f32 to vector<16xf32>
      %max3A_191 = arith.maximumf %add3A_189, %max3A_190 : vector<16xf32>
      %min3A = arith.constant 1.000000e+01 : f32
      %min3A_192 = vector.broadcast %min3A : f32 to vector<16xf32>
      %min3A_193 = arith.minimumf %max3A_191, %min3A_192 : vector<16xf32>
      %mul3A_194 = arith.constant 16 : i32
      %mul3A_195 = arith.muli %add3A_60, %mul3A_194 : i32
      %swap3A = arith.index_cast %mul3A_195 : i32 to index
      %swap3A_196 = tpu.vector_load %arg13[%swap3A] {strides = array<i32>} : memref<512xf32, #tpu.memory_space<vmem>>, vector<16xf32>,
      tpu.vector_store %arg13[%swap3A], %min3A_193 {strides = array<i32>} : memref<512xf32, #tpu.memory_space<vmem>>, vector<16xf32>,
      %parallel_loop3A_197 = arith.constant 1 : i32
      %parallel_loop3A_198 = arith.constant 21 : i32
      %parallel_loop3A_199 = arith.constant 1 : i32
      scf.for %parallel_loop3A_299 = %parallel_loop3A_197 to %parallel_loop3A_198 step %parallel_loop3A_199  : i32 {
        %parallel_loop3A_300 = arith.constant 16 : i32
        %parallel_loop3A_301 = arith.muli %parallel_loop3A_299, %parallel_loop3A_300 : i32
        %parallel_loop3A_302 = arith.index_cast %parallel_loop3A_301 : i32 to index
        %parallel_loop3A_303 = tpu.vector_load %arg12[%parallel_loop3A_302] {strides = array<i32>} : memref<5376xf32, #tpu.memory_space<vmem>>, vector<16xf32>,
        %parallel_loop3A_304 = arith.constant 16 : i32
        %parallel_loop3A_305 = arith.muli %parallel_loop3A_299, %parallel_loop3A_304 : i32
        %parallel_loop3A_306 = arith.constant 336 : i32
        %parallel_loop3A_307 = arith.addi %parallel_loop3A_306, %parallel_loop3A_305 : i32
        %parallel_loop3A_308 = arith.index_cast %parallel_loop3A_307 : i32 to index
        %parallel_loop3A_309 = tpu.vector_load %arg12[%parallel_loop3A_308] {strides = array<i32>} : memref<5376xf32, #tpu.memory_space<vmem>>, vector<16xf32>,
        %parallel_loop3A_310 = arith.addf %parallel_loop3A_303, %parallel_loop3A_309 : vector<16xf32>
        %parallel_loop3A_311 = arith.constant 16 : i32
        %parallel_loop3A_312 = arith.muli %parallel_loop3A_299, %parallel_loop3A_311 : i32
        %parallel_loop3A_313 = arith.constant 672 : i32
        %parallel_loop3A_314 = arith.addi %parallel_loop3A_313, %parallel_loop3A_312 : i32
        %parallel_loop3A_315 = arith.index_cast %parallel_loop3A_314 : i32 to index
        %parallel_loop3A_316 = tpu.vector_load %arg12[%parallel_loop3A_315] {strides = array<i32>} : memref<5376xf32, #tpu.memory_space<vmem>>, vector<16xf32>,
        %parallel_loop3A_317 = arith.addf %parallel_loop3A_310, %parallel_loop3A_316 : vector<16xf32>
        %parallel_loop3A_318 = arith.constant 16 : i32
        %parallel_loop3A_319 = arith.muli %parallel_loop3A_299, %parallel_loop3A_318 : i32
        %parallel_loop3A_320 = arith.constant 1008 : i32
        %parallel_loop3A_321 = arith.addi %parallel_loop3A_320, %parallel_loop3A_319 : i32
        %parallel_loop3A_322 = arith.index_cast %parallel_loop3A_321 : i32 to index
        %parallel_loop3A_323 = tpu.vector_load %arg12[%parallel_loop3A_322] {strides = array<i32>} : memref<5376xf32, #tpu.memory_space<vmem>>, vector<16xf32>,
        %parallel_loop3A_324 = arith.addf %parallel_loop3A_317, %parallel_loop3A_323 : vector<16xf32>
        %parallel_loop3A_325 = arith.constant 16 : i32
        %parallel_loop3A_326 = arith.muli %parallel_loop3A_299, %parallel_loop3A_325 : i32
        %parallel_loop3A_327 = arith.constant 1344 : i32
        %parallel_loop3A_328 = arith.addi %parallel_loop3A_327, %parallel_loop3A_326 : i32
        %parallel_loop3A_329 = arith.index_cast %parallel_loop3A_328 : i32 to index
        %parallel_loop3A_330 = tpu.vector_load %arg12[%parallel_loop3A_329] {strides = array<i32>} : memref<5376xf32, #tpu.memory_space<vmem>>, vector<16xf32>,
        %parallel_loop3A_331 = arith.addf %parallel_loop3A_324, %parallel_loop3A_330 : vector<16xf32>
        %parallel_loop3A_332 = arith.constant 16 : i32
        %parallel_loop3A_333 = arith.muli %parallel_loop3A_299, %parallel_loop3A_332 : i32
        %parallel_loop3A_334 = arith.constant 1680 : i32
        %parallel_loop3A_335 = arith.addi %parallel_loop3A_334, %parallel_loop3A_333 : i32
        %parallel_loop3A_336 = arith.index_cast %parallel_loop3A_335 : i32 to index
        %parallel_loop3A_337 = tpu.vector_load %arg12[%parallel_loop3A_336] {strides = array<i32>} : memref<5376xf32, #tpu.memory_space<vmem>>, vector<16xf32>,
        %parallel_loop3A_338 = arith.addf %parallel_loop3A_331, %parallel_loop3A_337 : vector<16xf32>
        %parallel_loop3A_339 = arith.constant 16 : i32
        %parallel_loop3A_340 = arith.muli %parallel_loop3A_299, %parallel_loop3A_339 : i32
        %parallel_loop3A_341 = arith.constant 2016 : i32
        %parallel_loop3A_342 = arith.addi %parallel_loop3A_341, %parallel_loop3A_340 : i32
        %parallel_loop3A_343 = arith.index_cast %parallel_loop3A_342 : i32 to index
        %parallel_loop3A_344 = tpu.vector_load %arg12[%parallel_loop3A_343] {strides = array<i32>} : memref<5376xf32, #tpu.memory_space<vmem>>, vector<16xf32>,
        %parallel_loop3A_345 = arith.addf %parallel_loop3A_338, %parallel_loop3A_344 : vector<16xf32>
        %parallel_loop3A_346 = arith.constant 16 : i32
        %parallel_loop3A_347 = arith.muli %parallel_loop3A_299, %parallel_loop3A_346 : i32
        %parallel_loop3A_348 = arith.constant 2352 : i32
        %parallel_loop3A_349 = arith.addi %parallel_loop3A_348, %parallel_loop3A_347 : i32
        %parallel_loop3A_350 = arith.index_cast %parallel_loop3A_349 : i32 to index
        %parallel_loop3A_351 = tpu.vector_load %arg12[%parallel_loop3A_350] {strides = array<i32>} : memref<5376xf32, #tpu.memory_space<vmem>>, vector<16xf32>,
        %parallel_loop3A_352 = arith.addf %parallel_loop3A_345, %parallel_loop3A_351 : vector<16xf32>
        %parallel_loop3A_353 = arith.constant 16 : i32
        %parallel_loop3A_354 = arith.muli %parallel_loop3A_299, %parallel_loop3A_353 : i32
        %parallel_loop3A_355 = arith.constant 2688 : i32
        %parallel_loop3A_356 = arith.addi %parallel_loop3A_355, %parallel_loop3A_354 : i32
        %parallel_loop3A_357 = arith.index_cast %parallel_loop3A_356 : i32 to index
        %parallel_loop3A_358 = tpu.vector_load %arg12[%parallel_loop3A_357] {strides = array<i32>} : memref<5376xf32, #tpu.memory_space<vmem>>, vector<16xf32>,
        %parallel_loop3A_359 = arith.addf %parallel_loop3A_352, %parallel_loop3A_358 : vector<16xf32>
        %parallel_loop3A_360 = arith.constant 16 : i32
        %parallel_loop3A_361 = arith.muli %parallel_loop3A_299, %parallel_loop3A_360 : i32
        %parallel_loop3A_362 = arith.constant 3024 : i32
        %parallel_loop3A_363 = arith.addi %parallel_loop3A_362, %parallel_loop3A_361 : i32
        %parallel_loop3A_364 = arith.index_cast %parallel_loop3A_363 : i32 to index
        %parallel_loop3A_365 = tpu.vector_load %arg12[%parallel_loop3A_364] {strides = array<i32>} : memref<5376xf32, #tpu.memory_space<vmem>>, vector<16xf32>,
        %parallel_loop3A_366 = arith.addf %parallel_loop3A_359, %parallel_loop3A_365 : vector<16xf32>
        %parallel_loop3A_367 = arith.constant 16 : i32
        %parallel_loop3A_368 = arith.muli %parallel_loop3A_299, %parallel_loop3A_367 : i32
        %parallel_loop3A_369 = arith.constant 3360 : i32
        %parallel_loop3A_370 = arith.addi %parallel_loop3A_369, %parallel_loop3A_368 : i32
        %parallel_loop3A_371 = arith.index_cast %parallel_loop3A_370 : i32 to index
        %parallel_loop3A_372 = tpu.vector_load %arg12[%parallel_loop3A_371] {strides = array<i32>} : memref<5376xf32, #tpu.memory_space<vmem>>, vector<16xf32>,
        %parallel_loop3A_373 = arith.addf %parallel_loop3A_366, %parallel_loop3A_372 : vector<16xf32>
        %parallel_loop3A_374 = arith.constant 16 : i32
        %parallel_loop3A_375 = arith.muli %parallel_loop3A_299, %parallel_loop3A_374 : i32
        %parallel_loop3A_376 = arith.constant 3696 : i32
        %parallel_loop3A_377 = arith.addi %parallel_loop3A_376, %parallel_loop3A_375 : i32
        %parallel_loop3A_378 = arith.index_cast %parallel_loop3A_377 : i32 to index
        %parallel_loop3A_379 = tpu.vector_load %arg12[%parallel_loop3A_378] {strides = array<i32>} : memref<5376xf32, #tpu.memory_space<vmem>>, vector<16xf32>,
        %parallel_loop3A_380 = arith.addf %parallel_loop3A_373, %parallel_loop3A_379 : vector<16xf32>
        %parallel_loop3A_381 = arith.constant 16 : i32
        %parallel_loop3A_382 = arith.muli %parallel_loop3A_299, %parallel_loop3A_381 : i32
        %parallel_loop3A_383 = arith.constant 4032 : i32
        %parallel_loop3A_384 = arith.addi %parallel_loop3A_383, %parallel_loop3A_382 : i32
        %parallel_loop3A_385 = arith.index_cast %parallel_loop3A_384 : i32 to index
        %parallel_loop3A_386 = tpu.vector_load %arg12[%parallel_loop3A_385] {strides = array<i32>} : memref<5376xf32, #tpu.memory_space<vmem>>, vector<16xf32>,
        %parallel_loop3A_387 = arith.addf %parallel_loop3A_380, %parallel_loop3A_386 : vector<16xf32>
        %parallel_loop3A_388 = arith.constant 16 : i32
        %parallel_loop3A_389 = arith.muli %parallel_loop3A_299, %parallel_loop3A_388 : i32
        %parallel_loop3A_390 = arith.constant 4368 : i32
        %parallel_loop3A_391 = arith.addi %parallel_loop3A_390, %parallel_loop3A_389 : i32
        %parallel_loop3A_392 = arith.index_cast %parallel_loop3A_391 : i32 to index
        %parallel_loop3A_393 = tpu.vector_load %arg12[%parallel_loop3A_392] {strides = array<i32>} : memref<5376xf32, #tpu.memory_space<vmem>>, vector<16xf32>,
        %parallel_loop3A_394 = arith.addf %parallel_loop3A_387, %parallel_loop3A_393 : vector<16xf32>
        %parallel_loop3A_395 = arith.constant 16 : i32
        %parallel_loop3A_396 = arith.muli %parallel_loop3A_299, %parallel_loop3A_395 : i32
        %parallel_loop3A_397 = arith.constant 4704 : i32
        %parallel_loop3A_398 = arith.addi %parallel_loop3A_397, %parallel_loop3A_396 : i32
        %parallel_loop3A_399 = arith.index_cast %parallel_loop3A_398 : i32 to index
        %parallel_loop3A_400 = tpu.vector_load %arg12[%parallel_loop3A_399] {strides = array<i32>} : memref<5376xf32, #tpu.memory_space<vmem>>, vector<16xf32>,
        %parallel_loop3A_401 = arith.addf %parallel_loop3A_394, %parallel_loop3A_400 : vector<16xf32>
        %parallel_loop3A_402 = arith.constant 16 : i32
        %parallel_loop3A_403 = arith.muli %parallel_loop3A_299, %parallel_loop3A_402 : i32
        %parallel_loop3A_404 = arith.constant 5040 : i32
        %parallel_loop3A_405 = arith.addi %parallel_loop3A_404, %parallel_loop3A_403 : i32
        %parallel_loop3A_406 = arith.index_cast %parallel_loop3A_405 : i32 to index
        %parallel_loop3A_407 = tpu.vector_load %arg12[%parallel_loop3A_406] {strides = array<i32>} : memref<5376xf32, #tpu.memory_space<vmem>>, vector<16xf32>,
        %parallel_loop3A_408 = arith.addf %parallel_loop3A_401, %parallel_loop3A_407 : vector<16xf32>
        %parallel_loop3A_409 = arith.constant -1.000000e+01 : f32
        %parallel_loop3A_410 = vector.broadcast %parallel_loop3A_409 : f32 to vector<16xf32>
        %parallel_loop3A_411 = arith.maximumf %parallel_loop3A_408, %parallel_loop3A_410 : vector<16xf32>
        %parallel_loop3A_412 = arith.constant 1.000000e+01 : f32
        %parallel_loop3A_413 = vector.broadcast %parallel_loop3A_412 : f32 to vector<16xf32>
        %parallel_loop3A_414 = arith.minimumf %parallel_loop3A_411, %parallel_loop3A_413 : vector<16xf32>
        %parallel_loop3A_415 = arith.constant 16 : i32
        %parallel_loop3A_416 = arith.muli %add3A_60, %parallel_loop3A_415 : i32
        %parallel_loop3A_417 = arith.constant 20 : i32
        %parallel_loop3A_418 = arith.muli %parallel_loop3A_416, %parallel_loop3A_417 : i32
        %parallel_loop3A_419 = arith.addi %parallel_loop3A_418, %parallel_loop3A_299 : i32
        %parallel_loop3A_420 = arith.constant 1 : i32
        %parallel_loop3A_421 = arith.subi %parallel_loop3A_419, %parallel_loop3A_420 : i32
        %parallel_loop3A_422 = vector.broadcast %parallel_loop3A_421 : i32 to vector<16xi32>
        %parallel_loop3A_423 = arith.addi %mul3A_10, %parallel_loop3A_422 : vector<16xi32>
        tpu.vector_store_idx %arg14[%parallel_loop3A_423], %parallel_loop3A_414 : memref<10240xf32, #tpu.memory_space<vmem>>[vector<16xi32>], vector<16xf32>,
      } {sc.loop_unroll_factor = 2 : i64, sc.parallel_access}
      %add3A_200 = arith.constant 2 : i32
      %add3A_201 = arith.addi %add3A_60, %add3A_200 : i32
      %lt3A = arith.constant 32 : i32
      %lt3A_202 = arith.cmpi slt, %add3A_201, %lt3A : i32
      %convert_element_type3A = arith.extui %lt3A_202 : i1 to i32
      %cond3A = arith.constant 0 : i32
      %cond3A_203 = arith.cmpi ne, %convert_element_type3A, %cond3A : i32
      scf.if %cond3A_203 {
        %add3A_299 = arith.constant 2 : i32
        %add3A_300 = arith.addi %add3A_60, %add3A_299 : i32
        %mul3A_301 = arith.constant 16 : i32
        %mul3A_302 = arith.muli %add3A_300, %mul3A_301 : i32
        %dma_start3A_303 = arith.constant 0 : i32
        %dma_start3A_304 = arith.constant 0 : i32
        %dma_start3A_305 = arith.constant 0 : i32
        %dma_start3A_306 = tpu.memref_slice %arg10[%dma_start3A_303, %dma_start3A_304, %dma_start3A_305] : memref<2x16x128xf32, #tpu.memory_space<vmem>> -> memref<1x16x128xf32, #tpu.memory_space<vmem>>
        %dma_start3A_307 = tpu.memref_squeeze %dma_start3A_306 : memref<1x16x128xf32, #tpu.memory_space<vmem>> -> memref<16x128xf32, #tpu.memory_space<vmem>>
        %dma_start3A_308 = tpu.memref_slice %arg8[%mul3A_302] : memref<512xi32, #tpu.memory_space<vmem>> -> memref<16xi32, #tpu.memory_space<vmem>>
        %dma_start3A_309 = arith.constant 0 : i32
        %dma_start3A_310 = arith.constant 0 : i32
        %dma_start3A_311 = tpu.memref_slice %arg4[%dma_start3A_309, %dma_start3A_310] : memref<100000x128xf32, #tpu.memory_space<hbm>> -> memref<100000x128xf32, #tpu.memory_space<hbm>>
        tpu.enqueue_indirect_dma source(%dma_start3A_311 : memref<100000x128xf32, #tpu.memory_space<hbm>>) target(%dma_start3A_307 : memref<16x128xf32, #tpu.memory_space<vmem>>) offsets(%dma_start3A_308 : memref<16xi32, #tpu.memory_space<vmem>>) semaphore(%arg15 : memref<!tpu.dma_semaphore, #tpu.memory_space<semaphore_mem>>)
        %mul3A_312 = arith.constant 336 : i32
        %mul3A_313 = arith.muli %add3A_300, %mul3A_312 : i32
        %add3A_314 = arith.constant 0 : i32
        %add3A_315 = arith.addi %mul3A_313, %add3A_314 : i32
        %dma_start3A_316 = arith.constant 0 : i32
        %dma_start3A_317 = arith.constant 0 : i32
        %dma_start3A_318 = arith.constant 0 : i32
        %dma_start3A_319 = tpu.memref_slice %arg11[%dma_start3A_316, %dma_start3A_317, %dma_start3A_318] : memref<2x336x128xf32, #tpu.memory_space<vmem>> -> memref<1x112x128xf32, #tpu.memory_space<vmem>>
        %dma_start3A_320 = tpu.memref_squeeze %dma_start3A_319 : memref<1x112x128xf32, #tpu.memory_space<vmem>> -> memref<112x128xf32, #tpu.memory_space<vmem>>
        %dma_start3A_321 = tpu.memref_slice %arg9[%add3A_315] : memref<10752xi32, #tpu.memory_space<vmem>> -> memref<112xi32, #tpu.memory_space<vmem>>
        %dma_start3A_322 = arith.constant 0 : i32
        %dma_start3A_323 = arith.constant 0 : i32
        %dma_start3A_324 = tpu.memref_slice %arg5[%dma_start3A_322, %dma_start3A_323] : memref<100000x128xf32, #tpu.memory_space<hbm>> -> memref<100000x128xf32, #tpu.memory_space<hbm>>
        tpu.enqueue_indirect_dma source(%dma_start3A_324 : memref<100000x128xf32, #tpu.memory_space<hbm>>) target(%dma_start3A_320 : memref<112x128xf32, #tpu.memory_space<vmem>>) offsets(%dma_start3A_321 : memref<112xi32, #tpu.memory_space<vmem>>) semaphore(%arg15 : memref<!tpu.dma_semaphore, #tpu.memory_space<semaphore_mem>>)
        %mul3A_325 = arith.constant 336 : i32
        %mul3A_326 = arith.muli %add3A_300, %mul3A_325 : i32
        %add3A_327 = arith.constant 112 : i32
        %add3A_328 = arith.addi %mul3A_326, %add3A_327 : i32
        %dma_start3A_329 = arith.constant 0 : i32
        %dma_start3A_330 = arith.constant 112 : i32
        %dma_start3A_331 = arith.constant 0 : i32
        %dma_start3A_332 = tpu.memref_slice %arg11[%dma_start3A_329, %dma_start3A_330, %dma_start3A_331] : memref<2x336x128xf32, #tpu.memory_space<vmem>> -> memref<1x112x128xf32, #tpu.memory_space<vmem>>
        %dma_start3A_333 = tpu.memref_squeeze %dma_start3A_332 : memref<1x112x128xf32, #tpu.memory_space<vmem>> -> memref<112x128xf32, #tpu.memory_space<vmem>>
        %dma_start3A_334 = tpu.memref_slice %arg9[%add3A_328] : memref<10752xi32, #tpu.memory_space<vmem>> -> memref<112xi32, #tpu.memory_space<vmem>>
        %dma_start3A_335 = arith.constant 0 : i32
        %dma_start3A_336 = arith.constant 0 : i32
        %dma_start3A_337 = tpu.memref_slice %arg5[%dma_start3A_335, %dma_start3A_336] : memref<100000x128xf32, #tpu.memory_space<hbm>> -> memref<100000x128xf32, #tpu.memory_space<hbm>>
        tpu.enqueue_indirect_dma source(%dma_start3A_337 : memref<100000x128xf32, #tpu.memory_space<hbm>>) target(%dma_start3A_333 : memref<112x128xf32, #tpu.memory_space<vmem>>) offsets(%dma_start3A_334 : memref<112xi32, #tpu.memory_space<vmem>>) semaphore(%arg15 : memref<!tpu.dma_semaphore, #tpu.memory_space<semaphore_mem>>)
        %mul3A_338 = arith.constant 336 : i32
        %mul3A_339 = arith.muli %add3A_300, %mul3A_338 : i32
        %add3A_340 = arith.constant 224 : i32
        %add3A_341 = arith.addi %mul3A_339, %add3A_340 : i32
        %dma_start3A_342 = arith.constant 0 : i32
        %dma_start3A_343 = arith.constant 224 : i32
        %dma_start3A_344 = arith.constant 0 : i32
        %dma_start3A_345 = tpu.memref_slice %arg11[%dma_start3A_342, %dma_start3A_343, %dma_start3A_344] : memref<2x336x128xf32, #tpu.memory_space<vmem>> -> memref<1x112x128xf32, #tpu.memory_space<vmem>>
        %dma_start3A_346 = tpu.memref_squeeze %dma_start3A_345 : memref<1x112x128xf32, #tpu.memory_space<vmem>> -> memref<112x128xf32, #tpu.memory_space<vmem>>
        %dma_start3A_347 = tpu.memref_slice %arg9[%add3A_341] : memref<10752xi32, #tpu.memory_space<vmem>> -> memref<112xi32, #tpu.memory_space<vmem>>
        %dma_start3A_348 = arith.constant 0 : i32
        %dma_start3A_349 = arith.constant 0 : i32
        %dma_start3A_350 = tpu.memref_slice %arg5[%dma_start3A_348, %dma_start3A_349] : memref<100000x128xf32, #tpu.memory_space<hbm>> -> memref<100000x128xf32, #tpu.memory_space<hbm>>
        tpu.enqueue_indirect_dma source(%dma_start3A_350 : memref<100000x128xf32, #tpu.memory_space<hbm>>) target(%dma_start3A_346 : memref<112x128xf32, #tpu.memory_space<vmem>>) offsets(%dma_start3A_347 : memref<112xi32, #tpu.memory_space<vmem>>) semaphore(%arg15 : memref<!tpu.dma_semaphore, #tpu.memory_space<semaphore_mem>>)
      } else {
      }
      %dma_wait3A_204 = arith.constant 1 : i32
      %dma_wait3A_205 = arith.constant 0 : i32
      %dma_wait3A_206 = arith.constant 0 : i32
      %dma_wait3A_207 = tpu.memref_slice %arg10[%dma_wait3A_204, %dma_wait3A_205, %dma_wait3A_206] : memref<2x16x128xf32, #tpu.memory_space<vmem>> -> memref<1x16x128xf32, #tpu.memory_space<vmem>>
      %dma_wait3A_208 = tpu.memref_squeeze %dma_wait3A_207 : memref<1x16x128xf32, #tpu.memory_space<vmem>> -> memref<16x128xf32, #tpu.memory_space<vmem>>
      %dma_wait3A_209 = arith.constant 0 : i32
      %dma_wait3A_210 = arith.constant 0 : i32
      %dma_wait3A_211 = tpu.memref_slice %arg4[%dma_wait3A_209, %dma_wait3A_210] : memref<100000x128xf32, #tpu.memory_space<hbm>> -> memref<16x128xf32, #tpu.memory_space<hbm>>
      %dma_wait3A_212 = arith.constant 0 : i32
      %dma_wait3A_213 = arith.constant 0 : i32
      %dma_wait3A_214 = tpu.memref_slice %arg10[%dma_wait3A_204, %dma_wait3A_212, %dma_wait3A_213] : memref<2x16x128xf32, #tpu.memory_space<vmem>> -> memref<1x16x128xf32, #tpu.memory_space<vmem>>
      %dma_wait3A_215 = tpu.memref_squeeze %dma_wait3A_214 : memref<1x16x128xf32, #tpu.memory_space<vmem>> -> memref<16x128xf32, #tpu.memory_space<vmem>>
      %dma_wait3A_216 = arith.constant 0 : i32
      %dma_wait3A_217 = arith.constant 0 : i32
      %dma_wait3A_218 = tpu.memref_slice %arg4[%dma_wait3A_216, %dma_wait3A_217] : memref<100000x128xf32, #tpu.memory_space<hbm>> -> memref<16x128xf32, #tpu.memory_space<hbm>>
      tpu.wait_dma2 semaphore(%arg16 : memref<!tpu.dma_semaphore, #tpu.memory_space<semaphore_mem>>) src(%dma_wait3A_218 : memref<16x128xf32, #tpu.memory_space<hbm>>) dst(%dma_wait3A_215 : memref<16x128xf32, #tpu.memory_space<vmem>>)
      %dma_wait3A_219 = arith.constant 1 : i32
      %dma_wait3A_220 = arith.constant 0 : i32
      %dma_wait3A_221 = arith.constant 0 : i32
      %dma_wait3A_222 = tpu.memref_slice %arg11[%dma_wait3A_219, %dma_wait3A_220, %dma_wait3A_221] : memref<2x336x128xf32, #tpu.memory_space<vmem>> -> memref<1x336x128xf32, #tpu.memory_space<vmem>>
      %dma_wait3A_223 = tpu.memref_squeeze %dma_wait3A_222 : memref<1x336x128xf32, #tpu.memory_space<vmem>> -> memref<336x128xf32, #tpu.memory_space<vmem>>
      %dma_wait3A_224 = arith.constant 0 : i32
      %dma_wait3A_225 = arith.constant 0 : i32
      %dma_wait3A_226 = tpu.memref_slice %arg5[%dma_wait3A_224, %dma_wait3A_225] : memref<100000x128xf32, #tpu.memory_space<hbm>> -> memref<336x128xf32, #tpu.memory_space<hbm>>
      %dma_wait3A_227 = arith.constant 0 : i32
      %dma_wait3A_228 = arith.constant 0 : i32
      %dma_wait3A_229 = tpu.memref_slice %arg11[%dma_wait3A_219, %dma_wait3A_227, %dma_wait3A_228] : memref<2x336x128xf32, #tpu.memory_space<vmem>> -> memref<1x336x128xf32, #tpu.memory_space<vmem>>
      %dma_wait3A_230 = tpu.memref_squeeze %dma_wait3A_229 : memref<1x336x128xf32, #tpu.memory_space<vmem>> -> memref<336x128xf32, #tpu.memory_space<vmem>>
      %dma_wait3A_231 = arith.constant 0 : i32
      %dma_wait3A_232 = arith.constant 0 : i32
      %dma_wait3A_233 = tpu.memref_slice %arg5[%dma_wait3A_231, %dma_wait3A_232] : memref<100000x128xf32, #tpu.memory_space<hbm>> -> memref<336x128xf32, #tpu.memory_space<hbm>>
      tpu.wait_dma2 semaphore(%arg16 : memref<!tpu.dma_semaphore, #tpu.memory_space<semaphore_mem>>) src(%dma_wait3A_233 : memref<336x128xf32, #tpu.memory_space<hbm>>) dst(%dma_wait3A_230 : memref<336x128xf32, #tpu.memory_space<vmem>>)
      %add3A_234 = arith.constant 1 : i32
      %add3A_235 = arith.addi %add3A_60, %add3A_234 : i32
      %parallel_loop3A_236 = arith.constant 0 : i32
      %parallel_loop3A_237 = arith.constant 16 : i32
      %parallel_loop3A_238 = arith.constant 1 : i32
      scf.for %parallel_loop3A_299 = %parallel_loop3A_236 to %parallel_loop3A_237 step %parallel_loop3A_238  : i32 {
        %parallel_loop3A_300 = arith.constant 1 : i32
        %parallel_loop3A_301 = arith.index_cast %parallel_loop3A_300 : i32 to index
        %parallel_loop3A_302 = arith.index_cast %parallel_loop3A_299 : i32 to index
        %parallel_loop3A_303 = arith.constant 0 : index
        %parallel_loop3A_304 = tpu.vector_load %arg10[%parallel_loop3A_301, %parallel_loop3A_302, %parallel_loop3A_303] {strides = array<i32>} : memref<2x16x128xf32, #tpu.memory_space<vmem>>, vector<16xf32>,
        %parallel_loop3A_305 = arith.constant 1 : i32
        %parallel_loop3A_306 = arith.index_cast %parallel_loop3A_305 : i32 to index
        %parallel_loop3A_307 = arith.index_cast %parallel_loop3A_299 : i32 to index
        %parallel_loop3A_308 = arith.constant 16 : index
        %parallel_loop3A_309 = tpu.vector_load %arg10[%parallel_loop3A_306, %parallel_loop3A_307, %parallel_loop3A_308] {strides = array<i32>} : memref<2x16x128xf32, #tpu.memory_space<vmem>>, vector<16xf32>,
        %parallel_loop3A_310 = arith.constant 1 : i32
        %parallel_loop3A_311 = arith.index_cast %parallel_loop3A_310 : i32 to index
        %parallel_loop3A_312 = arith.index_cast %parallel_loop3A_299 : i32 to index
        %parallel_loop3A_313 = arith.constant 32 : index
        %parallel_loop3A_314 = tpu.vector_load %arg10[%parallel_loop3A_311, %parallel_loop3A_312, %parallel_loop3A_313] {strides = array<i32>} : memref<2x16x128xf32, #tpu.memory_space<vmem>>, vector<16xf32>,
        %parallel_loop3A_315 = arith.constant 1 : i32
        %parallel_loop3A_316 = arith.index_cast %parallel_loop3A_315 : i32 to index
        %parallel_loop3A_317 = arith.index_cast %parallel_loop3A_299 : i32 to index
        %parallel_loop3A_318 = arith.constant 48 : index
        %parallel_loop3A_319 = tpu.vector_load %arg10[%parallel_loop3A_316, %parallel_loop3A_317, %parallel_loop3A_318] {strides = array<i32>} : memref<2x16x128xf32, #tpu.memory_space<vmem>>, vector<16xf32>,
        %parallel_loop3A_320 = arith.constant 1 : i32
        %parallel_loop3A_321 = arith.index_cast %parallel_loop3A_320 : i32 to index
        %parallel_loop3A_322 = arith.index_cast %parallel_loop3A_299 : i32 to index
        %parallel_loop3A_323 = arith.constant 64 : index
        %parallel_loop3A_324 = tpu.vector_load %arg10[%parallel_loop3A_321, %parallel_loop3A_322, %parallel_loop3A_323] {strides = array<i32>} : memref<2x16x128xf32, #tpu.memory_space<vmem>>, vector<16xf32>,
        %parallel_loop3A_325 = arith.constant 1 : i32
        %parallel_loop3A_326 = arith.index_cast %parallel_loop3A_325 : i32 to index
        %parallel_loop3A_327 = arith.index_cast %parallel_loop3A_299 : i32 to index
        %parallel_loop3A_328 = arith.constant 80 : index
        %parallel_loop3A_329 = tpu.vector_load %arg10[%parallel_loop3A_326, %parallel_loop3A_327, %parallel_loop3A_328] {strides = array<i32>} : memref<2x16x128xf32, #tpu.memory_space<vmem>>, vector<16xf32>,
        %parallel_loop3A_330 = arith.constant 1 : i32
        %parallel_loop3A_331 = arith.index_cast %parallel_loop3A_330 : i32 to index
        %parallel_loop3A_332 = arith.index_cast %parallel_loop3A_299 : i32 to index
        %parallel_loop3A_333 = arith.constant 96 : index
        %parallel_loop3A_334 = tpu.vector_load %arg10[%parallel_loop3A_331, %parallel_loop3A_332, %parallel_loop3A_333] {strides = array<i32>} : memref<2x16x128xf32, #tpu.memory_space<vmem>>, vector<16xf32>,
        %parallel_loop3A_335 = arith.constant 1 : i32
        %parallel_loop3A_336 = arith.index_cast %parallel_loop3A_335 : i32 to index
        %parallel_loop3A_337 = arith.index_cast %parallel_loop3A_299 : i32 to index
        %parallel_loop3A_338 = arith.constant 112 : index
        %parallel_loop3A_339 = tpu.vector_load %arg10[%parallel_loop3A_336, %parallel_loop3A_337, %parallel_loop3A_338] {strides = array<i32>} : memref<2x16x128xf32, #tpu.memory_space<vmem>>, vector<16xf32>,
        %parallel_loop3A_340 = arith.constant 0 : i32
        %parallel_loop3A_341 = arith.constant 21 : i32
        %parallel_loop3A_342 = arith.constant 1 : i32
        scf.for %parallel_loop3A_343 = %parallel_loop3A_340 to %parallel_loop3A_341 step %parallel_loop3A_342  : i32 {
          %parallel_loop3A_344 = arith.constant 21 : i32
          %parallel_loop3A_345 = arith.muli %parallel_loop3A_299, %parallel_loop3A_344 : i32
          %parallel_loop3A_346 = arith.addi %parallel_loop3A_345, %parallel_loop3A_343 : i32
          %parallel_loop3A_347 = arith.constant 1 : i32
          %parallel_loop3A_348 = arith.index_cast %parallel_loop3A_347 : i32 to index
          %parallel_loop3A_349 = arith.index_cast %parallel_loop3A_346 : i32 to index
          %parallel_loop3A_350 = arith.constant 0 : index
          %parallel_loop3A_351 = tpu.vector_load %arg11[%parallel_loop3A_348, %parallel_loop3A_349, %parallel_loop3A_350] {strides = array<i32>} : memref<2x336x128xf32, #tpu.memory_space<vmem>>, vector<16xf32>,
          %parallel_loop3A_352 = arith.mulf %parallel_loop3A_304, %parallel_loop3A_351 : vector<16xf32>
          %parallel_loop3A_353 = arith.constant 1 : i32
          %parallel_loop3A_354 = arith.index_cast %parallel_loop3A_353 : i32 to index
          %parallel_loop3A_355 = arith.index_cast %parallel_loop3A_346 : i32 to index
          %parallel_loop3A_356 = arith.constant 16 : index
          %parallel_loop3A_357 = tpu.vector_load %arg11[%parallel_loop3A_354, %parallel_loop3A_355, %parallel_loop3A_356] {strides = array<i32>} : memref<2x336x128xf32, #tpu.memory_space<vmem>>, vector<16xf32>,
          %parallel_loop3A_358 = arith.mulf %parallel_loop3A_309, %parallel_loop3A_357 : vector<16xf32>
          %parallel_loop3A_359 = arith.constant 1 : i32
          %parallel_loop3A_360 = arith.index_cast %parallel_loop3A_359 : i32 to index
          %parallel_loop3A_361 = arith.index_cast %parallel_loop3A_346 : i32 to index
          %parallel_loop3A_362 = arith.constant 32 : index
          %parallel_loop3A_363 = tpu.vector_load %arg11[%parallel_loop3A_360, %parallel_loop3A_361, %parallel_loop3A_362] {strides = array<i32>} : memref<2x336x128xf32, #tpu.memory_space<vmem>>, vector<16xf32>,
          %parallel_loop3A_364 = arith.mulf %parallel_loop3A_314, %parallel_loop3A_363 : vector<16xf32>
          %parallel_loop3A_365 = arith.constant 1 : i32
          %parallel_loop3A_366 = arith.index_cast %parallel_loop3A_365 : i32 to index
          %parallel_loop3A_367 = arith.index_cast %parallel_loop3A_346 : i32 to index
          %parallel_loop3A_368 = arith.constant 48 : index
          %parallel_loop3A_369 = tpu.vector_load %arg11[%parallel_loop3A_366, %parallel_loop3A_367, %parallel_loop3A_368] {strides = array<i32>} : memref<2x336x128xf32, #tpu.memory_space<vmem>>, vector<16xf32>,
          %parallel_loop3A_370 = arith.mulf %parallel_loop3A_319, %parallel_loop3A_369 : vector<16xf32>
          %parallel_loop3A_371 = arith.constant 1 : i32
          %parallel_loop3A_372 = arith.index_cast %parallel_loop3A_371 : i32 to index
          %parallel_loop3A_373 = arith.index_cast %parallel_loop3A_346 : i32 to index
          %parallel_loop3A_374 = arith.constant 64 : index
          %parallel_loop3A_375 = tpu.vector_load %arg11[%parallel_loop3A_372, %parallel_loop3A_373, %parallel_loop3A_374] {strides = array<i32>} : memref<2x336x128xf32, #tpu.memory_space<vmem>>, vector<16xf32>,
          %parallel_loop3A_376 = arith.mulf %parallel_loop3A_324, %parallel_loop3A_375 : vector<16xf32>
          %parallel_loop3A_377 = arith.constant 1 : i32
          %parallel_loop3A_378 = arith.index_cast %parallel_loop3A_377 : i32 to index
          %parallel_loop3A_379 = arith.index_cast %parallel_loop3A_346 : i32 to index
          %parallel_loop3A_380 = arith.constant 80 : index
          %parallel_loop3A_381 = tpu.vector_load %arg11[%parallel_loop3A_378, %parallel_loop3A_379, %parallel_loop3A_380] {strides = array<i32>} : memref<2x336x128xf32, #tpu.memory_space<vmem>>, vector<16xf32>,
          %parallel_loop3A_382 = arith.mulf %parallel_loop3A_329, %parallel_loop3A_381 : vector<16xf32>
          %parallel_loop3A_383 = arith.constant 1 : i32
          %parallel_loop3A_384 = arith.index_cast %parallel_loop3A_383 : i32 to index
          %parallel_loop3A_385 = arith.index_cast %parallel_loop3A_346 : i32 to index
          %parallel_loop3A_386 = arith.constant 96 : index
          %parallel_loop3A_387 = tpu.vector_load %arg11[%parallel_loop3A_384, %parallel_loop3A_385, %parallel_loop3A_386] {strides = array<i32>} : memref<2x336x128xf32, #tpu.memory_space<vmem>>, vector<16xf32>,
          %parallel_loop3A_388 = arith.mulf %parallel_loop3A_334, %parallel_loop3A_387 : vector<16xf32>
          %parallel_loop3A_389 = arith.constant 1 : i32
          %parallel_loop3A_390 = arith.index_cast %parallel_loop3A_389 : i32 to index
          %parallel_loop3A_391 = arith.index_cast %parallel_loop3A_346 : i32 to index
          %parallel_loop3A_392 = arith.constant 112 : index
          %parallel_loop3A_393 = tpu.vector_load %arg11[%parallel_loop3A_390, %parallel_loop3A_391, %parallel_loop3A_392] {strides = array<i32>} : memref<2x336x128xf32, #tpu.memory_space<vmem>>, vector<16xf32>,
          %parallel_loop3A_394 = arith.mulf %parallel_loop3A_339, %parallel_loop3A_393 : vector<16xf32>
          %parallel_loop3A_395 = arith.addf %parallel_loop3A_352, %parallel_loop3A_358 : vector<16xf32>
          %parallel_loop3A_396 = arith.addf %parallel_loop3A_364, %parallel_loop3A_370 : vector<16xf32>
          %parallel_loop3A_397 = arith.addf %parallel_loop3A_376, %parallel_loop3A_382 : vector<16xf32>
          %parallel_loop3A_398 = arith.addf %parallel_loop3A_388, %parallel_loop3A_394 : vector<16xf32>
          %parallel_loop3A_399 = arith.addf %parallel_loop3A_395, %parallel_loop3A_396 : vector<16xf32>
          %parallel_loop3A_400 = arith.addf %parallel_loop3A_397, %parallel_loop3A_398 : vector<16xf32>
          %parallel_loop3A_401 = arith.addf %parallel_loop3A_399, %parallel_loop3A_400 : vector<16xf32>
          %parallel_loop3A_402 = arith.constant 16 : i32
          %parallel_loop3A_403 = arith.muli %parallel_loop3A_343, %parallel_loop3A_402 : i32
          %parallel_loop3A_404 = arith.addi %parallel_loop3A_403, %parallel_loop3A_299 : i32
          %parallel_loop3A_405 = vector.broadcast %parallel_loop3A_404 : i32 to vector<16xi32>
          %parallel_loop3A_406 = arith.addi %mul3A_7, %parallel_loop3A_405 : vector<16xi32>
          tpu.vector_store_idx %arg12[%parallel_loop3A_406], %parallel_loop3A_401 : memref<5376xf32, #tpu.memory_space<vmem>>[vector<16xi32>], vector<16xf32>,
        } {sc.loop_unroll_factor = 3 : i64, sc.parallel_access}
      } {sc.loop_unroll_factor = 2 : i64, sc.parallel_access}
      %get3A_239 = arith.constant 0 : index
      %get3A_240 = tpu.vector_load %arg12[%get3A_239] {strides = array<i32>} : memref<5376xf32, #tpu.memory_space<vmem>>, vector<16xf32>,
      %get3A_241 = arith.constant 336 : index
      %get3A_242 = tpu.vector_load %arg12[%get3A_241] {strides = array<i32>} : memref<5376xf32, #tpu.memory_space<vmem>>, vector<16xf32>,
      %add3A_243 = arith.addf %get3A_240, %get3A_242 : vector<16xf32>
      %get3A_244 = arith.constant 672 : index
      %get3A_245 = tpu.vector_load %arg12[%get3A_244] {strides = array<i32>} : memref<5376xf32, #tpu.memory_space<vmem>>, vector<16xf32>,
      %add3A_246 = arith.addf %add3A_243, %get3A_245 : vector<16xf32>
      %get3A_247 = arith.constant 1008 : index
      %get3A_248 = tpu.vector_load %arg12[%get3A_247] {strides = array<i32>} : memref<5376xf32, #tpu.memory_space<vmem>>, vector<16xf32>,
      %add3A_249 = arith.addf %add3A_246, %get3A_248 : vector<16xf32>
      %get3A_250 = arith.constant 1344 : index
      %get3A_251 = tpu.vector_load %arg12[%get3A_250] {strides = array<i32>} : memref<5376xf32, #tpu.memory_space<vmem>>, vector<16xf32>,
      %add3A_252 = arith.addf %add3A_249, %get3A_251 : vector<16xf32>
      %get3A_253 = arith.constant 1680 : index
      %get3A_254 = tpu.vector_load %arg12[%get3A_253] {strides = array<i32>} : memref<5376xf32, #tpu.memory_space<vmem>>, vector<16xf32>,
      %add3A_255 = arith.addf %add3A_252, %get3A_254 : vector<16xf32>
      %get3A_256 = arith.constant 2016 : index
      %get3A_257 = tpu.vector_load %arg12[%get3A_256] {strides = array<i32>} : memref<5376xf32, #tpu.memory_space<vmem>>, vector<16xf32>,
      %add3A_258 = arith.addf %add3A_255, %get3A_257 : vector<16xf32>
      %get3A_259 = arith.constant 2352 : index
      %get3A_260 = tpu.vector_load %arg12[%get3A_259] {strides = array<i32>} : memref<5376xf32, #tpu.memory_space<vmem>>, vector<16xf32>,
      %add3A_261 = arith.addf %add3A_258, %get3A_260 : vector<16xf32>
      %get3A_262 = arith.constant 2688 : index
      %get3A_263 = tpu.vector_load %arg12[%get3A_262] {strides = array<i32>} : memref<5376xf32, #tpu.memory_space<vmem>>, vector<16xf32>,
      %add3A_264 = arith.addf %add3A_261, %get3A_263 : vector<16xf32>
      %get3A_265 = arith.constant 3024 : index
      %get3A_266 = tpu.vector_load %arg12[%get3A_265] {strides = array<i32>} : memref<5376xf32, #tpu.memory_space<vmem>>, vector<16xf32>,
      %add3A_267 = arith.addf %add3A_264, %get3A_266 : vector<16xf32>
      %get3A_268 = arith.constant 3360 : index
      %get3A_269 = tpu.vector_load %arg12[%get3A_268] {strides = array<i32>} : memref<5376xf32, #tpu.memory_space<vmem>>, vector<16xf32>,
      %add3A_270 = arith.addf %add3A_267, %get3A_269 : vector<16xf32>
      %get3A_271 = arith.constant 3696 : index
      %get3A_272 = tpu.vector_load %arg12[%get3A_271] {strides = array<i32>} : memref<5376xf32, #tpu.memory_space<vmem>>, vector<16xf32>,
      %add3A_273 = arith.addf %add3A_270, %get3A_272 : vector<16xf32>
      %get3A_274 = arith.constant 4032 : index
      %get3A_275 = tpu.vector_load %arg12[%get3A_274] {strides = array<i32>} : memref<5376xf32, #tpu.memory_space<vmem>>, vector<16xf32>,
      %add3A_276 = arith.addf %add3A_273, %get3A_275 : vector<16xf32>
      %get3A_277 = arith.constant 4368 : index
      %get3A_278 = tpu.vector_load %arg12[%get3A_277] {strides = array<i32>} : memref<5376xf32, #tpu.memory_space<vmem>>, vector<16xf32>,
      %add3A_279 = arith.addf %add3A_276, %get3A_278 : vector<16xf32>
      %get3A_280 = arith.constant 4704 : index
      %get3A_281 = tpu.vector_load %arg12[%get3A_280] {strides = array<i32>} : memref<5376xf32, #tpu.memory_space<vmem>>, vector<16xf32>,
      %add3A_282 = arith.addf %add3A_279, %get3A_281 : vector<16xf32>
      %get3A_283 = arith.constant 5040 : index
      %get3A_284 = tpu.vector_load %arg12[%get3A_283] {strides = array<i32>} : memref<5376xf32, #tpu.memory_space<vmem>>, vector<16xf32>,
      %add3A_285 = arith.addf %add3A_282, %get3A_284 : vector<16xf32>
      %max3A_286 = arith.constant -1.000000e+01 : f32
      %max3A_287 = vector.broadcast %max3A_286 : f32 to vector<16xf32>
      %max3A_288 = arith.maximumf %add3A_285, %max3A_287 : vector<16xf32>
      %min3A_289 = arith.constant 1.000000e+01 : f32
      %min3A_290 = vector.broadcast %min3A_289 : f32 to vector<16xf32>
      %min3A_291 = arith.minimumf %max3A_288, %min3A_290 : vector<16xf32>
      %mul3A_292 = arith.constant 16 : i32
      %mul3A_293 = arith.muli %add3A_235, %mul3A_292 : i32
      %swap3A_294 = arith.index_cast %mul3A_293 : i32 to index
      %swap3A_295 = tpu.vector_load %arg13[%swap3A_294] {strides = array<i32>} : memref<512xf32, #tpu.memory_space<vmem>>, vector<16xf32>,
      tpu.vector_store %arg13[%swap3A_294], %min3A_291 {strides = array<i32>} : memref<512xf32, #tpu.memory_space<vmem>>, vector<16xf32>,
      %parallel_loop3A_296 = arith.constant 1 : i32
      %parallel_loop3A_297 = arith.constant 21 : i32
      %parallel_loop3A_298 = arith.constant 1 : i32
      scf.for %parallel_loop3A_299 = %parallel_loop3A_296 to %parallel_loop3A_297 step %parallel_loop3A_298  : i32 {
        %parallel_loop3A_300 = arith.constant 16 : i32
        %parallel_loop3A_301 = arith.muli %parallel_loop3A_299, %parallel_loop3A_300 : i32
        %parallel_loop3A_302 = arith.index_cast %parallel_loop3A_301 : i32 to index
        %parallel_loop3A_303 = tpu.vector_load %arg12[%parallel_loop3A_302] {strides = array<i32>} : memref<5376xf32, #tpu.memory_space<vmem>>, vector<16xf32>,
        %parallel_loop3A_304 = arith.constant 16 : i32
        %parallel_loop3A_305 = arith.muli %parallel_loop3A_299, %parallel_loop3A_304 : i32
        %parallel_loop3A_306 = arith.constant 336 : i32
        %parallel_loop3A_307 = arith.addi %parallel_loop3A_306, %parallel_loop3A_305 : i32
        %parallel_loop3A_308 = arith.index_cast %parallel_loop3A_307 : i32 to index
        %parallel_loop3A_309 = tpu.vector_load %arg12[%parallel_loop3A_308] {strides = array<i32>} : memref<5376xf32, #tpu.memory_space<vmem>>, vector<16xf32>,
        %parallel_loop3A_310 = arith.addf %parallel_loop3A_303, %parallel_loop3A_309 : vector<16xf32>
        %parallel_loop3A_311 = arith.constant 16 : i32
        %parallel_loop3A_312 = arith.muli %parallel_loop3A_299, %parallel_loop3A_311 : i32
        %parallel_loop3A_313 = arith.constant 672 : i32
        %parallel_loop3A_314 = arith.addi %parallel_loop3A_313, %parallel_loop3A_312 : i32
        %parallel_loop3A_315 = arith.index_cast %parallel_loop3A_314 : i32 to index
        %parallel_loop3A_316 = tpu.vector_load %arg12[%parallel_loop3A_315] {strides = array<i32>} : memref<5376xf32, #tpu.memory_space<vmem>>, vector<16xf32>,
        %parallel_loop3A_317 = arith.addf %parallel_loop3A_310, %parallel_loop3A_316 : vector<16xf32>
        %parallel_loop3A_318 = arith.constant 16 : i32
        %parallel_loop3A_319 = arith.muli %parallel_loop3A_299, %parallel_loop3A_318 : i32
        %parallel_loop3A_320 = arith.constant 1008 : i32
        %parallel_loop3A_321 = arith.addi %parallel_loop3A_320, %parallel_loop3A_319 : i32
        %parallel_loop3A_322 = arith.index_cast %parallel_loop3A_321 : i32 to index
        %parallel_loop3A_323 = tpu.vector_load %arg12[%parallel_loop3A_322] {strides = array<i32>} : memref<5376xf32, #tpu.memory_space<vmem>>, vector<16xf32>,
        %parallel_loop3A_324 = arith.addf %parallel_loop3A_317, %parallel_loop3A_323 : vector<16xf32>
        %parallel_loop3A_325 = arith.constant 16 : i32
        %parallel_loop3A_326 = arith.muli %parallel_loop3A_299, %parallel_loop3A_325 : i32
        %parallel_loop3A_327 = arith.constant 1344 : i32
        %parallel_loop3A_328 = arith.addi %parallel_loop3A_327, %parallel_loop3A_326 : i32
        %parallel_loop3A_329 = arith.index_cast %parallel_loop3A_328 : i32 to index
        %parallel_loop3A_330 = tpu.vector_load %arg12[%parallel_loop3A_329] {strides = array<i32>} : memref<5376xf32, #tpu.memory_space<vmem>>, vector<16xf32>,
        %parallel_loop3A_331 = arith.addf %parallel_loop3A_324, %parallel_loop3A_330 : vector<16xf32>
        %parallel_loop3A_332 = arith.constant 16 : i32
        %parallel_loop3A_333 = arith.muli %parallel_loop3A_299, %parallel_loop3A_332 : i32
        %parallel_loop3A_334 = arith.constant 1680 : i32
        %parallel_loop3A_335 = arith.addi %parallel_loop3A_334, %parallel_loop3A_333 : i32
        %parallel_loop3A_336 = arith.index_cast %parallel_loop3A_335 : i32 to index
        %parallel_loop3A_337 = tpu.vector_load %arg12[%parallel_loop3A_336] {strides = array<i32>} : memref<5376xf32, #tpu.memory_space<vmem>>, vector<16xf32>,
        %parallel_loop3A_338 = arith.addf %parallel_loop3A_331, %parallel_loop3A_337 : vector<16xf32>
        %parallel_loop3A_339 = arith.constant 16 : i32
        %parallel_loop3A_340 = arith.muli %parallel_loop3A_299, %parallel_loop3A_339 : i32
        %parallel_loop3A_341 = arith.constant 2016 : i32
        %parallel_loop3A_342 = arith.addi %parallel_loop3A_341, %parallel_loop3A_340 : i32
        %parallel_loop3A_343 = arith.index_cast %parallel_loop3A_342 : i32 to index
        %parallel_loop3A_344 = tpu.vector_load %arg12[%parallel_loop3A_343] {strides = array<i32>} : memref<5376xf32, #tpu.memory_space<vmem>>, vector<16xf32>,
        %parallel_loop3A_345 = arith.addf %parallel_loop3A_338, %parallel_loop3A_344 : vector<16xf32>
        %parallel_loop3A_346 = arith.constant 16 : i32
        %parallel_loop3A_347 = arith.muli %parallel_loop3A_299, %parallel_loop3A_346 : i32
        %parallel_loop3A_348 = arith.constant 2352 : i32
        %parallel_loop3A_349 = arith.addi %parallel_loop3A_348, %parallel_loop3A_347 : i32
        %parallel_loop3A_350 = arith.index_cast %parallel_loop3A_349 : i32 to index
        %parallel_loop3A_351 = tpu.vector_load %arg12[%parallel_loop3A_350] {strides = array<i32>} : memref<5376xf32, #tpu.memory_space<vmem>>, vector<16xf32>,
        %parallel_loop3A_352 = arith.addf %parallel_loop3A_345, %parallel_loop3A_351 : vector<16xf32>
        %parallel_loop3A_353 = arith.constant 16 : i32
        %parallel_loop3A_354 = arith.muli %parallel_loop3A_299, %parallel_loop3A_353 : i32
        %parallel_loop3A_355 = arith.constant 2688 : i32
        %parallel_loop3A_356 = arith.addi %parallel_loop3A_355, %parallel_loop3A_354 : i32
        %parallel_loop3A_357 = arith.index_cast %parallel_loop3A_356 : i32 to index
        %parallel_loop3A_358 = tpu.vector_load %arg12[%parallel_loop3A_357] {strides = array<i32>} : memref<5376xf32, #tpu.memory_space<vmem>>, vector<16xf32>,
        %parallel_loop3A_359 = arith.addf %parallel_loop3A_352, %parallel_loop3A_358 : vector<16xf32>
        %parallel_loop3A_360 = arith.constant 16 : i32
        %parallel_loop3A_361 = arith.muli %parallel_loop3A_299, %parallel_loop3A_360 : i32
        %parallel_loop3A_362 = arith.constant 3024 : i32
        %parallel_loop3A_363 = arith.addi %parallel_loop3A_362, %parallel_loop3A_361 : i32
        %parallel_loop3A_364 = arith.index_cast %parallel_loop3A_363 : i32 to index
        %parallel_loop3A_365 = tpu.vector_load %arg12[%parallel_loop3A_364] {strides = array<i32>} : memref<5376xf32, #tpu.memory_space<vmem>>, vector<16xf32>,
        %parallel_loop3A_366 = arith.addf %parallel_loop3A_359, %parallel_loop3A_365 : vector<16xf32>
        %parallel_loop3A_367 = arith.constant 16 : i32
        %parallel_loop3A_368 = arith.muli %parallel_loop3A_299, %parallel_loop3A_367 : i32
        %parallel_loop3A_369 = arith.constant 3360 : i32
        %parallel_loop3A_370 = arith.addi %parallel_loop3A_369, %parallel_loop3A_368 : i32
        %parallel_loop3A_371 = arith.index_cast %parallel_loop3A_370 : i32 to index
        %parallel_loop3A_372 = tpu.vector_load %arg12[%parallel_loop3A_371] {strides = array<i32>} : memref<5376xf32, #tpu.memory_space<vmem>>, vector<16xf32>,
        %parallel_loop3A_373 = arith.addf %parallel_loop3A_366, %parallel_loop3A_372 : vector<16xf32>
        %parallel_loop3A_374 = arith.constant 16 : i32
        %parallel_loop3A_375 = arith.muli %parallel_loop3A_299, %parallel_loop3A_374 : i32
        %parallel_loop3A_376 = arith.constant 3696 : i32
        %parallel_loop3A_377 = arith.addi %parallel_loop3A_376, %parallel_loop3A_375 : i32
        %parallel_loop3A_378 = arith.index_cast %parallel_loop3A_377 : i32 to index
        %parallel_loop3A_379 = tpu.vector_load %arg12[%parallel_loop3A_378] {strides = array<i32>} : memref<5376xf32, #tpu.memory_space<vmem>>, vector<16xf32>,
        %parallel_loop3A_380 = arith.addf %parallel_loop3A_373, %parallel_loop3A_379 : vector<16xf32>
        %parallel_loop3A_381 = arith.constant 16 : i32
        %parallel_loop3A_382 = arith.muli %parallel_loop3A_299, %parallel_loop3A_381 : i32
        %parallel_loop3A_383 = arith.constant 4032 : i32
        %parallel_loop3A_384 = arith.addi %parallel_loop3A_383, %parallel_loop3A_382 : i32
        %parallel_loop3A_385 = arith.index_cast %parallel_loop3A_384 : i32 to index
        %parallel_loop3A_386 = tpu.vector_load %arg12[%parallel_loop3A_385] {strides = array<i32>} : memref<5376xf32, #tpu.memory_space<vmem>>, vector<16xf32>,
        %parallel_loop3A_387 = arith.addf %parallel_loop3A_380, %parallel_loop3A_386 : vector<16xf32>
        %parallel_loop3A_388 = arith.constant 16 : i32
        %parallel_loop3A_389 = arith.muli %parallel_loop3A_299, %parallel_loop3A_388 : i32
        %parallel_loop3A_390 = arith.constant 4368 : i32
        %parallel_loop3A_391 = arith.addi %parallel_loop3A_390, %parallel_loop3A_389 : i32
        %parallel_loop3A_392 = arith.index_cast %parallel_loop3A_391 : i32 to index
        %parallel_loop3A_393 = tpu.vector_load %arg12[%parallel_loop3A_392] {strides = array<i32>} : memref<5376xf32, #tpu.memory_space<vmem>>, vector<16xf32>,
        %parallel_loop3A_394 = arith.addf %parallel_loop3A_387, %parallel_loop3A_393 : vector<16xf32>
        %parallel_loop3A_395 = arith.constant 16 : i32
        %parallel_loop3A_396 = arith.muli %parallel_loop3A_299, %parallel_loop3A_395 : i32
        %parallel_loop3A_397 = arith.constant 4704 : i32
        %parallel_loop3A_398 = arith.addi %parallel_loop3A_397, %parallel_loop3A_396 : i32
        %parallel_loop3A_399 = arith.index_cast %parallel_loop3A_398 : i32 to index
        %parallel_loop3A_400 = tpu.vector_load %arg12[%parallel_loop3A_399] {strides = array<i32>} : memref<5376xf32, #tpu.memory_space<vmem>>, vector<16xf32>,
        %parallel_loop3A_401 = arith.addf %parallel_loop3A_394, %parallel_loop3A_400 : vector<16xf32>
        %parallel_loop3A_402 = arith.constant 16 : i32
        %parallel_loop3A_403 = arith.muli %parallel_loop3A_299, %parallel_loop3A_402 : i32
        %parallel_loop3A_404 = arith.constant 5040 : i32
        %parallel_loop3A_405 = arith.addi %parallel_loop3A_404, %parallel_loop3A_403 : i32
        %parallel_loop3A_406 = arith.index_cast %parallel_loop3A_405 : i32 to index
        %parallel_loop3A_407 = tpu.vector_load %arg12[%parallel_loop3A_406] {strides = array<i32>} : memref<5376xf32, #tpu.memory_space<vmem>>, vector<16xf32>,
        %parallel_loop3A_408 = arith.addf %parallel_loop3A_401, %parallel_loop3A_407 : vector<16xf32>
        %parallel_loop3A_409 = arith.constant -1.000000e+01 : f32
        %parallel_loop3A_410 = vector.broadcast %parallel_loop3A_409 : f32 to vector<16xf32>
        %parallel_loop3A_411 = arith.maximumf %parallel_loop3A_408, %parallel_loop3A_410 : vector<16xf32>
        %parallel_loop3A_412 = arith.constant 1.000000e+01 : f32
        %parallel_loop3A_413 = vector.broadcast %parallel_loop3A_412 : f32 to vector<16xf32>
        %parallel_loop3A_414 = arith.minimumf %parallel_loop3A_411, %parallel_loop3A_413 : vector<16xf32>
        %parallel_loop3A_415 = arith.constant 16 : i32
        %parallel_loop3A_416 = arith.muli %add3A_235, %parallel_loop3A_415 : i32
        %parallel_loop3A_417 = arith.constant 20 : i32
        %parallel_loop3A_418 = arith.muli %parallel_loop3A_416, %parallel_loop3A_417 : i32
        %parallel_loop3A_419 = arith.addi %parallel_loop3A_418, %parallel_loop3A_299 : i32
        %parallel_loop3A_420 = arith.constant 1 : i32
        %parallel_loop3A_421 = arith.subi %parallel_loop3A_419, %parallel_loop3A_420 : i32
        %parallel_loop3A_422 = vector.broadcast %parallel_loop3A_421 : i32 to vector<16xi32>
        %parallel_loop3A_423 = arith.addi %mul3A_10, %parallel_loop3A_422 : vector<16xi32>
        tpu.vector_store_idx %arg14[%parallel_loop3A_423], %parallel_loop3A_414 : memref<10240xf32, #tpu.memory_space<vmem>>[vector<16xi32>], vector<16xf32>,
      } {sc.loop_unroll_factor = 2 : i64, sc.parallel_access}
    }
    %scan3A_53 = arith.constant 16 : i32
    "tpu.region"() ({
      %run_scoped3A = tpu.sem_alloc : memref<!tpu.dma_semaphore, #tpu.memory_space<semaphore_mem>>
      %dma_start3A_56 = tpu.memref_slice %arg6[%mul3A_2] : memref<16384xf32, #tpu.memory_space<hbm>> -> memref<512xf32, #tpu.memory_space<hbm>>
      %dma_start3A_57 = tpu.memref_slice %arg6[%mul3A_2] : memref<16384xf32, #tpu.memory_space<hbm>> -> memref<512xf32, #tpu.memory_space<hbm>>
      tpu.enqueue_dma source(%arg13 : memref<512xf32, #tpu.memory_space<vmem>>) target(%dma_start3A_57 : memref<512xf32, #tpu.memory_space<hbm>>) target_semaphore(%run_scoped3A : memref<!tpu.dma_semaphore, #tpu.memory_space<semaphore_mem>>)
      %dma_wait3A = tpu.memref_slice %arg6[%mul3A_2] : memref<16384xf32, #tpu.memory_space<hbm>> -> memref<512xf32, #tpu.memory_space<hbm>>
      %dma_wait3A_58 = tpu.memref_slice %arg6[%mul3A_2] : memref<16384xf32, #tpu.memory_space<hbm>> -> memref<512xf32, #tpu.memory_space<hbm>>
      tpu.wait_dma2 semaphore(%run_scoped3A : memref<!tpu.dma_semaphore, #tpu.memory_space<semaphore_mem>>) src(%arg13 : memref<512xf32, #tpu.memory_space<vmem>>) dst(%dma_wait3A_58 : memref<512xf32, #tpu.memory_space<hbm>>)
      tpu.yield
    }) : () -> ()
    %mul3A_54 = arith.constant 20 : i32
    %mul3A_55 = arith.muli %mul3A_2, %mul3A_54 : i32
    "tpu.region"() ({
      %run_scoped3A = tpu.sem_alloc : memref<!tpu.dma_semaphore, #tpu.memory_space<semaphore_mem>>
      %dma_start3A_56 = tpu.memref_slice %arg7[%mul3A_55] : memref<327680xf32, #tpu.memory_space<hbm>> -> memref<10240xf32, #tpu.memory_space<hbm>>
      %dma_start3A_57 = tpu.memref_slice %arg7[%mul3A_55] : memref<327680xf32, #tpu.memory_space<hbm>> -> memref<10240xf32, #tpu.memory_space<hbm>>
      tpu.enqueue_dma source(%arg14 : memref<10240xf32, #tpu.memory_space<vmem>>) target(%dma_start3A_57 : memref<10240xf32, #tpu.memory_space<hbm>>) target_semaphore(%run_scoped3A : memref<!tpu.dma_semaphore, #tpu.memory_space<semaphore_mem>>)
      %dma_wait3A = tpu.memref_slice %arg7[%mul3A_55] : memref<327680xf32, #tpu.memory_space<hbm>> -> memref<10240xf32, #tpu.memory_space<hbm>>
      %dma_wait3A_58 = tpu.memref_slice %arg7[%mul3A_55] : memref<327680xf32, #tpu.memory_space<hbm>> -> memref<10240xf32, #tpu.memory_space<hbm>>
      tpu.wait_dma2 semaphore(%run_scoped3A : memref<!tpu.dma_semaphore, #tpu.memory_space<semaphore_mem>>) src(%arg14 : memref<10240xf32, #tpu.memory_space<vmem>>) dst(%dma_wait3A_58 : memref<10240xf32, #tpu.memory_space<hbm>>)
      tpu.yield
    }) : () -> ()
    return
  }
}

</mosaic_0001>

<sc_bundles>
// kernel: kernel.3.cloned.1.call-start
scs
__scs_entry_jumppad:
0x0: {  	(pc) =	sbr.rel $0x88, $3  }
0x1: {  	(tag) =	ssettag $0x0;
	lr =	simm.s32 $0x1  }
0x2: {  	[smem:$0x3F9C] =	sst lr;
	_ =	strace $0xD0000000  }
0x3: {  	_ = 	snop  }
0x4: {  	_ = 	snop  }
0x5: {  	_ = 	snop  }
0x6: {  	_ = 	snop  }
0x7: {  	_ = 	snop  }
__scs_overlays_trampoline_lowered:
0x8: {  	[smem:$0x3FAB] =	sst s0  }
0x9: {  	[smem:$0x3FAC] =	sst s1  }
0xa: {  	[smem:$0x3FAD] =	sst s2  }
0xb: {  	[smem:$0x3FAE] =	sst s3  }
0xc: {  	[smem:$0x3FAF] =	sst s4  }
0xd: {  	[smem:$0x3FB0] =	sst s5  }
0xe: {  	[smem:$0x3FB1] =	sst s6  }
0xf: {  	[smem:$0x3FB2] =	sst s7  }
0x10: {  	[smem:$0x3FB3] =	sst s8  }
0x11: {  	[smem:$0x3FB4] =	sst s9;
	s0 =	simm.s32 @!p0 $0x0  }
0x12: {  	s1 =	sld [smem:$0x3F9A];
	s0 =	simm.s32 @p0 $0x1  }
0x13: {  	[smem:$0x3FB5] =	sst s0;
	s0 =	simm.s32 @!p1 $0x0  }
0x14: {  	s2 =	sld [smem:$0x3F99];
	s0 =	simm.s32 @p1 $0x1  }
0x15: {  	[smem:$0x3FB6] =	sst s0;
	s0 =	simm.s32 @!p2 $0x0  }
0x16: {  	s3 =	sld [smem:$0x3FDB];
	s0 =	simm.s32 @p2 $0x1  }
0x17: {  	s4 =	simm.s32 $0x1BF5;
	[smem:$0x3FB8] =	sst s0  }
0x18: {  	s0 =	sld [smem:$0x3F9B];
	_ =	swait.ge [sflag:s4], $0x0  }
0x19: {  	s7 =	sld [smem:$0x3F9C]  }
0x1a: {  	s8 =	sadd.s32 $0xFFFFE003, lr  }
0x1b: {  	s9 =	sadd.s32 $0xFFFFFEF7, lr;
	s5 =	simm.s32 $0xFFFFFFFF;
	p2 =	slt.u32 s8, $0xFFFFF086  }
0x1c: {  	p1 =	slt.u32 s9, $0xF7A;
	s5 =	simm.s32 @!p2 $0x0  }
0x1d: {  	s5 =	simm.s32 @p1 $0x1;
	p0 =	seq.s32 s7, s2  }
0x1e: {  	s7 =	smul.u32 @!p0 $0xF7A, s2;
	p2 =	seq.s32 @!p0 s5, $0x0  }
0x1f: {  	s9 =	smul.u32 $0xF7A, s1;
	s8 =	simm.s32 @!p0 $0x1BF5;
	p2 =	por !p2, p0  }
0x20: {  	[sflag:s8] =	ssyncset.s32 @!p0 $0xFFFFF086;
	s6 =	sadd.s32 @!p0 s3, s7;
	s7 =	simm.s32 @!p0 $0x108  }
0x21: {  	s3 =	sadd.s32 s3, s9;
	s6 =	sadd.s32 @!p0 $0x88, s6;
	s7 =	simm.s32 @p2 $0x1082  }
0x22: {  	[simem:s7], [sflag:s8] =	dma.local @!p0 [hbm:s6], $0xF7A  }
0x23: {  	s9 =	sor.u32 $0xD0000000, s2;
	s6 =	simm.s32 $0x108;
	_ =	swait.ge @!p0 [sflag:s8], $0x0  }
0x24: {  	s3 =	sadd.s32 $0x88, s3;
	s6 =	simm.s32 @!p1 $0x1082;
	[sflag:s4] =	ssyncset.s32 $0xFFFFF086  }
0x25: {  	[simem:s6], [sflag:s4] =	dma.local [hbm:s3], $0xF7A  }
0x26: {  	[smem:$0x3F9C] =	sst s1;
	(tag) =	ssettag s2;
	_ =	strace s9  }
0x27: {  	s1 =	sld [smem:$0x3FAC]  }
0x28: {  	s2 =	sld [smem:$0x3FAD]  }
0x29: {  	s4 =	sld [smem:$0x3FAF]  }
0x2a: {  	p0 =	seq.s32 s5, $0x0;
	s5 =	sld [smem:$0x3FB0]  }
0x2b: {  	s6 =	sld [smem:$0x3FB1]  }
0x2c: {  	s7 =	sld [smem:$0x3FB2]  }
0x2d: {  	s3 =	simm.s32 $0x108;
	s8 =	sld [smem:$0x3FB3]  }
0x2e: {  	s3 =	simm.s32 @!p0 $0x1082;
	s9 =	sld [smem:$0x3FB4]  }
0x2f: {  	lr =	sadd.s32 s0, s3;
	s0 =	sld [smem:$0x3FAB]  }
0x30: {  	s3 =	sld [smem:$0x3FAE]  }
0x31: {  	[smem:$0x3FB7] =	sst s10  }
0x32: {  	s10 =	sld [smem:$0x3FB5];
	_ =	sdelay $0x3  }
0x33: {  	p0 =	seq.s32 s10, $0x1;
	s10 =	sld [smem:$0x3FB7];
	_ =	sdelay $0x3  }
0x34: {  	[smem:$0x3FB7] =	sst s10  }
0x35: {  	s10 =	sld [smem:$0x3FB6];
	_ =	sdelay $0x3  }
0x36: {  	p1 =	seq.s32 s10, $0x1;
	s10 =	sld [smem:$0x3FB7];
	_ =	sdelay $0x3  }
0x37: {  	[smem:$0x3FB7] =	sst s10  }
0x38: {  	s10 =	sld [smem:$0x3FB8]  }
0x39: {  	_ = 	snop;
	(pc) =	sbr.ind lr, $3  }
0x3a: {  	_ = 	snop  }
0x3b: {  	_ = 	snop  }
0x3c: {  	p2 =	seq.s32 s10, $0x1;
	s10 =	sld [smem:$0x3FB7]  }
0x3d: {  	_ =	shalt  }
0x3e: {  	_ =	shalt  }
0x3f: {  	_ =	shalt  }
0x40: {  	_ =	shalt  }
0x41: {  	_ =	shalt  }
0x42: {  	_ =	shalt  }
0x43: {  	_ =	shalt  }
0x44: {  	_ =	shalt  }
0x45: {  	_ =	shalt  }
0x46: {  	_ =	shalt  }
0x47: {  	_ =	shalt  }
0x48: {  	_ =	shalt  }
0x49: {  	_ =	shalt  }
0x4a: {  	_ =	shalt  }
0x4b: {  	_ =	shalt  }
0x4c: {  	_ =	shalt  }
0x4d: {  	_ =	shalt  }
0x4e: {  	_ =	shalt  }
0x4f: {  	_ =	shalt  }
0x50: {  	_ =	shalt  }
0x51: {  	_ =	shalt  }
0x52: {  	_ =	shalt  }
0x53: {  	_ =	shalt  }
0x54: {  	_ =	shalt  }
0x55: {  	_ =	shalt  }
0x56: {  	_ =	shalt  }
0x57: {  	_ =	shalt  }
0x58: {  	_ =	shalt  }
0x59: {  	_ =	shalt  }
0x5a: {  	_ =	shalt  }
0x5b: {  	_ =	shalt  }
0x5c: {  	_ =	shalt  }
0x5d: {  	_ =	shalt  }
0x5e: {  	_ =	shalt  }
0x5f: {  	_ =	shalt  }
0x60: {  	_ =	shalt  }
0x61: {  	_ =	shalt  }
0x62: {  	_ =	shalt  }
0x63: {  	_ =	shalt  }
0x64: {  	_ =	shalt  }
0x65: {  	_ =	shalt  }
0x66: {  	_ =	shalt  }
0x67: {  	_ =	shalt  }
0x68: {  	_ =	shalt  }
0x69: {  	_ =	shalt  }
0x6a: {  	_ =	shalt  }
0x6b: {  	_ =	shalt  }
0x6c: {  	_ =	shalt  }
0x6d: {  	_ =	shalt  }
0x6e: {  	_ =	shalt  }
0x6f: {  	_ =	shalt  }
0x70: {  	_ =	shalt  }
0x71: {  	_ =	shalt  }
0x72: {  	_ =	shalt  }
0x73: {  	_ =	shalt  }
0x74: {  	_ =	shalt  }
0x75: {  	_ =	shalt  }
0x76: {  	_ =	shalt  }
0x77: {  	_ =	shalt  }
0x78: {  	_ =	shalt  }
0x79: {  	_ =	shalt  }
0x7a: {  	_ =	shalt  }
0x7b: {  	_ =	shalt  }
0x7c: {  	_ =	shalt  }
0x7d: {  	_ =	shalt  }
0x7e: {  	_ =	shalt  }
0x7f: {  	_ =	shalt  }
0x80: {  	_ =	shalt  }
0x81: {  	_ =	shalt  }
0x82: {  	_ =	shalt  }
0x83: {  	_ =	shalt  }
0x84: {  	_ =	shalt  }
0x85: {  	_ =	shalt  }
0x86: {  	_ =	shalt  }
0x87: {  	_ =	shalt  }
.Lfunc_end0:
.L_simem_size_0:
called_computation_lowered:
.L_overlay_start_0:
0x88: {  	s2 =	sld [smem:$0x3FD9]  }
0x89: {  	s3 =	sld [smem:$0x3FFE];
	_ =	sdelay $0x1  }
0x8a: {  	s1 =	srdreg.scid  }
0x8b: {  	s0 =	sand.u32 $0x1, s1  }
0x8c: {  	s14 =	sshll.u32 s0, $0xA;
	s2 =	sadd.s32 s3, s2  }
0x8d: {  	s2 =	sadd.s32 s2, s14  }
0x8e: {  	[smem:$0x3FC3] =	sst s2  }
0x8f: {  	_ = 	snop  }
0x90: {  	s2 =	sld [smem:$0x3FD0]  }
0x91: {  	s15 =	sld [smem:$0x3FC9]  }
0x92: {  	s4 =	sld [smem:$0x3FC6]  }
0x93: {  	s6 =	simm.s32 $0xA;
	s7 =	simm.s32 $0x10;
	s5 =	sld [smem:$0x3FC5]  }
0x94: {  	[smem:s7], [sflag:s6] =	dma.local [hbm:s2], $0x1  }
0x95: {  	_ =	swait.eq [sflag:s6], $0x1  }
0x96: {  	[sflag:s6] =	ssyncset.done $0x0  }
0x97: {  	s16 =	sld [smem:$0x10];
	[sflag:s6] =	ssyncadd.s32 $0xFFFFFFFF  }
0x98: {  	s17 =	sld [smem:$0x11];
	(tm) =	ssettm $0x1  }
0x99: {  	s18 =	sld [smem:$0x3FFB];
	_ =	sdelay $0x3  }
0x9a: {  	_ =	strace s18  }
0x9b: {  	s7 =	sld [smem:$0x3FFC];
	_ =	sdelay $0x3  }
0x9c: {  	_ =	strace s7  }
0x9d: {  	s7 =	sld [smem:$0x3FFD];
	_ =	sdelay $0x3  }
0x9e: {  	_ =	strace s7  }
0x9f: {  	_ =	strace $0x8FFFFFFF  }
0xa0: {  	s19 =	sld [smem:$0x3FDB];
	_ =	sdelay $0x1  }
0xa1: {  	s8 =	simm.s32 $_scs_section_size  }
0xa2: {  	s9 =	simm.s32 $_size__tile_overlayer_lowered;
	s10 =	simm.s32 $_tile_overlayer_lowered  }
0xa3: {  	s22 =	simm.s32 $0x1BFF;
	s21 =	sshll.u32 s10, $0x1;
	s7 =	sadd.s32 s8, s19  }
0xa4: {  	s11 =	simm.s32 $0x0;
	s20 =	sshll.u32 s9, $0x1;
	s9 =	sadd.s32 s21, s7  }
0xa5: {  	[timem:s11], [sflag:s22] =	dma.local [hbm:s9], s20  }
0xa6: {  	_ =	swait.ge [sflag:s22], s20  }
0xa7: {  	s8 =	ssub.s32 $0x0, s20;
	[sflag:s22] =	ssyncset.done $0x0  }
0xa8: {  	[sflag:s22] =	ssyncadd.s32 s8;
	_ =	sdelay $0x1  }
0xa9: {  	s23 =	simm.s32 $0x1B8B  }
0xaa: {  	_ =	swait.ge [sflag:s23], $0x1  }
0xab: {  	[sflag:s23] =	ssyncset.done $0x0  }
0xac: {  	s25 =	simm.s32 $0x1B8E;
	s24 =	sld [smem:$0x3FFE];
	[sflag:s23] =	ssyncadd.s32 $0xFFFFFFFF  }
0xad: {  	s26 =	simm.s32 $execute0_lowered;
	[smem:$0x3FD2] =	sst s25  }
0xae: {  	s9 =	sshll.u32 s26, $0x1;
	_ =	strace $0x80000046;
	[dreg:$0x1] =	wrdreg $0xFFFFFFFF  }
0xaf: {  	s28 =	simm.s32 $_size_execute0_lowered;
	s7 =	sadd.s32 s7, s9;
	[dreg:$0x0] =	wrdreg $0x0  }
0xb0: {  	s9 =	sshll.u32 s28, $0x1;
	[dreg:$0x2] =	wrdreg s7  }
0xb1: {  	[dreg:$0x3] =	wrdreg s9  }
0xb2: {  	[dreg:$0x4] =	wrdreg $0xC0  }
0xb3: {  	_ =	task [dreg:s11], $0x5FFFF  }
0xb4: {  	[dreg:$0x1] =	wrdreg $0xFFFFFFFF  }
0xb5: {  	[dreg:$0x0] =	wrdreg $0x60  }
0xb6: {  	[dreg:$0x2] =	wrdreg s15  }
0xb7: {  	[dreg:$0x3] =	wrdreg s17  }
0xb8: {  	[dreg:$0x4] =	wrdreg s4  }
0xb9: {  	[dreg:$0x5] =	wrdreg s5  }
0xba: {  	[dreg:$0x6] =	wrdreg s16  }
0xbb: {  	[dreg:$0x7] =	wrdreg s24  }
0xbc: {  	[dreg:$0x8] =	wrdreg $0x9  }
0xbd: {  	_ =	task.clear_ibuf [dreg:s11], $0x9FFFF;
	_ =	strace $0x90000046  }
0xbe: {  	s29 =	simm.s32 $0x9;
	_ =	strace $0x80000048  }
0xbf: {  	_ =	swait.ge [sflag:s29], $0x1  }
0xc0: {  	[sflag:s29] =	ssyncadd.s32 $0xFFFFFFFF  }
0xc1: {  	_ =	strace $0x90000048  }
0xc2: {  	_ =	sfence  }
0xc3: {  	s30 =	sld [smem:$0x0];
	_ =	sdelay $0x2  }
0xc4: {  	s31 =	sshll.u32 s1, $0xD;
	s1 =	sshrl.u32 s1, $0x2  }
0xc5: {  	s3 =	sand.u32 $0x4000, s31;
	s1 =	sadd.s32 s1, s30  }
0xc6: {  	s0 =	sor.u32 s3, s0;
	s1 =	sshll.u32 s1, $0x11  }
0xc7: {  	s0 =	sor.u32 s1, s0  }
0xc8: {  	s0 =	sadd.s32 $0x8F2B, s0  }
0xc9: {  	[sflag:s0] =	ssyncadd.remote.s32 $0x1  }
0xca: {  	_ =	sfence.sel $0xFFFF  }
0xcb: {  	[dreg:$0x0] =	wrdreg $0xFFFFFFFF;
	(pc) =	sbr.abs _section_cstart, $3  }
0xcc: {  	[dreg:$0x1] =	wrdreg $0xFFFFFFFF  }
0xcd: {  	_ =	task.clear_ibuf [dreg:s11], $0x2FFFF;
	_ =	strace $0x9FFFFFFF  }
0xce: {  	(tm) =	ssettm $0x7FFFFFFF  }
0xcf: {  	_ =	shalt  }
tec
execute0_lowered:
.L_overlay_start_1:
0x0: {  	(tag) =	ssettag $0x1  }
0x1: {  	s0 =	rddreg [dreg:$0x0]  }
0x2: {  	s3 =	rddreg [dreg:$0x1]  }
0x3: {  	s1 =	rddreg [dreg:$0x2]  }
0x4: {  	s2 =	rddreg [dreg:$0x3]  }
0x5: {  	s5 =	rddreg [dreg:$0x4]  }
0x6: {  	s6 =	rddreg [dreg:$0x5]  }
0x7: {  	s7 =	srdreg.scid;
	s8 =	stileid.u32;
	s4 =	simm.s32 $0x0  }
0x8: {  	s12 =	simm.s32 $0x10;
	s14 =	simm.s32 $0x70;
	s20 =	simm.s32 $0x3400  }
0x9: {  	s21 =	simm.s32 $0xE400;
	s22 =	simm.s32 $0x11C00;
	s23 =	simm.s32 $0x15400  }
0xa: {  	s24 =	simm.s32 $0x1;
	s28 =	simm.s32 $0x2;
	s30 =	simm.s32 $0x0  }
0xb: {  	s7 =	sand.u32 $0x1, s7;
	s8 =	sshll.u32 s8, $0x1;
	[smem:$0x7FF] =	sst s4  }
0xc: {  	s8 =	sor.u32 s7, s8;
	_ =	strace $0x80000047;
	s7 =	ssub.s32 $0x2, s7  }
0xd: {  	s9 =	smul.u32 $0x500, s8;
	s10 =	sshrl.u32 s7, $0x1;
	s11 =	sshll.u32 s8, $0x6  }
0xe: {  	s8 =	smul.u32 $0x540, s8;
	s25 =	ssub.s32 s7, s10;
	s0 =	sadd.s32 s0, s11  }
0xf: {  	s29 =	sadd.s32 s5, s11;
	s10 =	simm.s32 $0x3;
	[dreg:$0x7] =	wrdreg s0  }
0x10: {  	s6 =	sadd.s32 s9, s6;
	s26 =	sadd.s32 s3, s8;
	[dreg:$0x9] =	wrdreg s29  }
0x11: {  	v1 =	vlaneseq.u32;
	s9 =	smax.u32 s25, $0x1;
	[dreg:$0x8] =	wrdreg s26;
	s31 =	sadd.s32 $0x800, s6  }
0x12: {  	v0 =	vmul.u32 $0x150, v1;
	v1 =	vmul.u32 $0x14, v1;
	s25 =	simm.s32 $0x18C00;
	s26 =	simm.s32 $0x1A300;
	[dreg:$0xa] =	wrdreg s31  }
.LBB2_1:
0x13: {  	s0 =	rddreg [dreg:$0x7]  }
0x14: {  	[tilespmem:s4], [sflag:$0x3] =	stream.linear.gather [hbm4b:s0+s4], $0x200, $0x38;
	[tilespmem:$0x1CB00] =	vst v63  }
0x15: {  	_ =	swait.ge [sflag:s10], $0x200  }
0x16: {  	[sflag:s10] =	ssyncset.done $0x0  }
0x17: {  	s3 =	simm.s32 $0x200;
	s13 =	rddreg [dreg:$0x8];
	[sflag:s10] =	ssyncadd.s32 $0xFFFFFE00  }
0x18: {  	[tilespmem:s3], [sflag:$0x3] =	stream.linear.gather [hbm4b:s13+s4], $0x2A00, $0x38;
	[tilespmem:$0x1CB00] =	vst v63  }
0x19: {  	_ =	swait.ge [sflag:s10], $0x2A00  }
0x1a: {  	[sflag:s10] =	ssyncset.done $0x0  }
0x1b: {  	s15 =	simm.s32 $0x2C00;
	[sflag:s10] =	ssyncadd.s32 $0xFFFFD600  }
0x1c: {  	[tilespmem:s15], [sflag:$0x1] =	stream.indirect.gather [hbm4b:s1+s12], $0x80, s4, s12, $0xb8;
	[tilespmem:$0x1CB00] =	vst v63  }
0x1d: {  	s16 =	simm.s32 $0x3C00  }
0x1e: {  	[tilespmem:s16], [sflag:$0x1] =	stream.indirect.gather [hbm4b:s2+s14], $0x80, s3, s14, $0xb8;
	[tilespmem:$0x1CB00] =	vst v63  }
0x1f: {  	s17 =	simm.s32 $0x270;
	s18 =	simm.s32 $0x7400;
	s19 =	simm.s32 $0x2E0  }
0x20: {  	[tilespmem:s18], [sflag:$0x1] =	stream.indirect.gather [hbm4b:s2+s14], $0x80, s17, s14, $0xb8;
	[tilespmem:$0x1CB00] =	vst v63  }
0x21: {  	s29 =	simm.s32 $0xAC00;
	s31 =	simm.s32 $0x0;
	s0 =	simm.s32 $0x0  }
0x22: {  	[tilespmem:s29], [sflag:$0x1] =	stream.indirect.gather [hbm4b:s2+s14], $0x80, s19, s14, $0xb8;
	[tilespmem:$0x1CB00] =	vst v63  }
.LBB2_2:
0x23: {  	s5 =	sshllo.u32 s0, $0x1  }
0x24: {  	s3 =	sshll.u32 s5, $0x4;
	s5 =	smul.u32 $0x540, s5  }
0x25: {  	[tilespmem:s20], [sflag:$0x2] =	stream.indirect.gather [hbm4b:s1+s12], $0x80, s3, s12, $0xb8;
	[tilespmem:$0x1CB00] =	vst v63  }
0x26: {  	s5 =	sshra.s32 s5, $0x2  }
0x27: {  	s6 =	sadd.s32 $0x200, s5  }
0x28: {  	[tilespmem:s21], [sflag:$0x2] =	stream.indirect.gather [hbm4b:s2+s14], $0x80, s6, s14, $0xb8;
	[tilespmem:$0x1CB00] =	vst v63  }
0x29: {  	s29 =	sadd.s32 $0x270, s5  }
0x2a: {  	[tilespmem:s22], [sflag:$0x2] =	stream.indirect.gather [hbm4b:s2+s14], $0x80, s29, s14, $0xb8;
	[tilespmem:$0x1CB00] =	vst v63  }
0x2b: {  	s5 =	sadd.s32 $0x2E0, s5  }
0x2c: {  	[tilespmem:s23], [sflag:$0x2] =	stream.indirect.gather [hbm4b:s2+s14], $0x80, s5, s14, $0xb8;
	[tilespmem:$0x1CB00] =	vst v63  }
0x2d: {  	_ =	swait.ge [sflag:s24], $0x800  }
0x2e: {  	[sflag:s24] =	ssyncset.done $0x0  }
0x2f: {  	[sflag:s24] =	ssyncadd.s32 $0xFFFFF800  }
0x30: {  	s13 =	sshll.u32 s0, $0x1;
	s19 =	simm.s32 $0x0;
	_ =	swait.ge [sflag:s24], $0xA800  }
0x31: {  	s16 =	simm.s32 $0x3CC0;
	s17 =	simm.s32 $0x21;
	[sflag:s24] =	ssyncset.done $0x0  }
0x32: {  	s18 =	simm.s32 $0x47F0;
	s6 =	simm.s32 $0x20;
	[sflag:s24] =	ssyncadd.s32 $0xFFFF5800  }
.LBB2_3:
0x33: {  	v10 =	vld [tilespmem:s16+$0x40]  }
0x34: {  	v11 =	vld [tilespmem:s16+$0x50]  }
0x35: {  	v12 =	vld [tilespmem:s16+$0x60]  }
0x36: {  	v13 =	vld [tilespmem:s16+$0x70]  }
0x37: {  	v14 =	vld [tilespmem:s16+$0x80]  }
0x38: {  	v15 =	vld [tilespmem:s16+$0x90]  }
0x39: {  	v16 =	vld [tilespmem:s16+$0xA0]  }
0x3a: {  	v17 =	vld [tilespmem:s16+$0xB0]  }
0x3b: {  	v19 =	vld [tilespmem:s16+$0xFFFFFF50]  }
0x3c: {  	s29 =	sshll.u32 s19, $0x7;
	v18 =	vld [tilespmem:s16+$0xFFFFFF60]  }
0x3d: {  	v20 =	vld [tilespmem:s16+$0xFFFFFF70];
	s5 =	sand.u32 $0x3FFFFF80, s29  }
0x3e: {  	v2 =	vld [tilespmem:s5+$0x2C00]  }
0x3f: {  	v3 =	vld [tilespmem:s5+$0x2C10]  }
0x40: {  	v4 =	vld [tilespmem:s5+$0x2C20]  }
0x41: {  	v7 =	vld [tilespmem:s5+$0x2C30]  }
0x42: {  	v8 =	vld [tilespmem:s5+$0x2C40]  }
0x43: {  	v9 =	vld [tilespmem:s5+$0x2C50]  }
0x44: {  	v5 =	vld [tilespmem:s5+$0x2C60]  }
0x45: {  	v6 =	vld [tilespmem:s5+$0x2C70]  }
0x46: {  	v21 =	vld [tilespmem:s16+$0xFFFFFF80]  }
0x47: {  	v22 =	vld [tilespmem:s16+$0xFFFFFF90];
	v10 =	vmul.f32 v10, v2;
	v11 =	vmul.f32 v11, v3  }
0x48: {  	v23 =	vld [tilespmem:s16+$0xFFFFFFA0];
	v12 =	vmul.f32 v12, v4;
	v13 =	vmul.f32 v13, v7  }
0x49: {  	v24 =	vld [tilespmem:s16+$0xFFFFFFB0];
	v14 =	vmul.f32 v14, v8;
	v15 =	vmul.f32 v15, v9  }
0x4a: {  	v26 =	vld [tilespmem:s16+$0xFFFFFFE0];
	v16 =	vmul.f32 v16, v5;
	v17 =	vmul.f32 v17, v6  }
0x4b: {  	v10 =	vadd.f32 v11, v10;
	v11 =	vadd.f32 v13, v12;
	v12 =	vld [tilespmem:s16+$0xFFFFFFC0]  }
0x4c: {  	v21 =	vmul.f32 v21, v8;
	v14 =	vadd.f32 v15, v14;
	v15 =	vadd.f32 v17, v16;
	v16 =	vld [tilespmem:s16+$0xFFFFFFD0]  }
0x4d: {  	v25 =	vadd.s32 s6, v0;
	v27 =	vld [tilespmem:s16+$0xFFFFFFF0];
	v13 =	vmul.f32 v18, v4;
	v17 =	vmul.f32 v20, v7  }
0x4e: {  	v10 =	vadd.f32 v11, v10;
	v11 =	vadd.f32 v15, v14;
	v14 =	vmul.f32 v22, v9  }
0x4f: {  	v20 =	vld [tilespmem:s16+$0x0];
	v18 =	vadd.f32 v17, v13;
	v13 =	vmul.f32 v23, v5;
	v15 =	vmul.f32 v24, v6  }
0x50: {  	v26 =	vmul.f32 v26, v4;
	v10 =	vadd.f32 v11, v10;
	v11 =	vadd.f32 v14, v21;
	v21 =	vld [tilespmem:s16+$0x10]  }
0x51: {  	s15 =	sadd.s32 $0xFFFFFFE0, s6;
	v22 =	vld [tilespmem:s16+$0x20];
	v13 =	vadd.f32 v15, v13;
	v12 =	vmul.f32 v12, v2;
	v14 =	vmul.f32 v16, v3  }
0x52: {  	s11 =	sadd.s32 $0xFFFFFFF0, s6;
	v27 =	vmul.f32 v27, v7;
	v17 =	vmul.f32 v19, v3;
	v24 =	vld [tilespmem:s16+$0x30];
	v15 =	vadd.s32 s15, v0  }
0x53: {  	s5 =	sadd.s32 $0x180, s16;
	v23 =	vld [tilespmem:s16+$0xFFFFFF40];
	s15 =	smov.u32 s6;
	v16 =	vadd.s32 s11, v0;
	s11 =	simm.s32 $0x0;
	[tilespmem:v25+s25+$0x0] =	vst.idx.msk $0xffff, v10;
	v19 =	vadd.f32 v13, v11;
	v25 =	vadd.f32 v14, v12  }
.LBB2_4:
0x54: {  	v10 =	vld [tilespmem:s5+$0x40];
	v11 =	vmul.f32 v20, v8  }
0x55: {  	v12 =	vld [tilespmem:s5+$0x50];
	v13 =	vmul.f32 v21, v9;
	v14 =	vadd.f32 v27, v26  }
0x56: {  	v20 =	vld [tilespmem:s5+$0x60];
	v21 =	vmul.f32 v22, v5  }
0x57: {  	v22 =	vld [tilespmem:s5+$0x70];
	v24 =	vmul.f32 v24, v6;
	v11 =	vadd.f32 v13, v11;
	v13 =	vadd.f32 v14, v25  }
0x58: {  	v14 =	vld [tilespmem:s5+$0x80];
	v23 =	vmul.f32 v23, v2  }
0x59: {  	v25 =	vld [tilespmem:s5+$0x90];
	v21 =	vadd.f32 v24, v21  }
0x5a: {  	v24 =	vld [tilespmem:s5+$0xA0];
	v17 =	vadd.f32 v17, v23  }
0x5b: {  	s11 =	sadd.s32 $0x3, s11;
	v23 =	vld [tilespmem:s5+$0xB0];
	v11 =	vadd.f32 v21, v11  }
0x5c: {  	p0 =	slt.u32 s11, $0x12;
	v21 =	vld [tilespmem:s5+$0xFFFFFF50];
	v17 =	vadd.f32 v18, v17  }
0x5d: {  	v10 =	vmul.f32 v10, v2;
	v12 =	vmul.f32 v12, v3;
	v18 =	vld [tilespmem:s5+$0xFFFFFF60];
	v11 =	vadd.f32 v11, v13  }
0x5e: {  	v20 =	vmul.f32 v20, v4;
	v22 =	vmul.f32 v22, v7;
	v13 =	vld [tilespmem:s5+$0xFFFFFF70];
	v17 =	vadd.f32 v19, v17  }
0x5f: {  	v14 =	vmul.f32 v14, v8;
	v25 =	vmul.f32 v25, v9;
	v19 =	vld [tilespmem:s5+$0xFFFFFF80];
	[tilespmem:v16+s25+$0x0] =	vst.idx.msk $0xffff, v11  }
0x60: {  	v16 =	vmul.f32 v24, v5;
	v11 =	vld [tilespmem:s5+$0xFFFFFF90];
	v23 =	vmul.f32 v23, v6;
	[tilespmem:v15+s25+$0x0] =	vst.idx.msk $0xffff, v17  }
0x61: {  	v10 =	vadd.f32 v12, v10;
	v12 =	vadd.f32 v22, v20;
	v17 =	vmul.f32 v21, v3;
	v21 =	vld [tilespmem:s5+$0xFFFFFFA0]  }
0x62: {  	s15 =	sadd.s32 $0x30, s15;
	v14 =	vadd.f32 v25, v14;
	v15 =	vmul.f32 v18, v4;
	v20 =	vld [tilespmem:s5+$0xFFFFFFB0];
	v16 =	vadd.f32 v23, v16  }
0x63: {  	s7 =	sadd.s32 $0xFFFFFFE0, s15;
	s8 =	sadd.s32 $0xFFFFFFF0, s15;
	v23 =	vadd.s32 s15, v0;
	v13 =	vmul.f32 v13, v7;
	v22 =	vld [tilespmem:s5+$0xFFFFFFC0]  }
0x64: {  	v10 =	vadd.f32 v12, v10;
	v19 =	vmul.f32 v19, v8;
	v24 =	vld [tilespmem:s5+$0xFFFFFFD0];
	v12 =	vadd.f32 v16, v14  }
0x65: {  	v11 =	vmul.f32 v11, v9;
	v18 =	vadd.f32 v13, v15;
	v15 =	vadd.s32 s7, v0;
	v13 =	vld [tilespmem:s5+$0xFFFFFFE0]  }
0x66: {  	v16 =	vadd.s32 s8, v0;
	v14 =	vmul.f32 v21, v5;
	v25 =	vld [tilespmem:s5+$0xFFFFFFF0];
	v10 =	vadd.f32 v12, v10  }
.Ltmp0:
0x67: {  	v12 =	vmul.f32 v20, v6;
	v11 =	vadd.f32 v11, v19;
	v20 =	vld [tilespmem:s5+$0x0];
	(pc) =	sbr.rel @p0 .LBB2_4-.Ltmp0, $4  }
0x68: {  	v28 =	vmul.f32 v22, v2;
	v21 =	vld [tilespmem:s5+$0x10];
	[tilespmem:v23+s25+$0x0] =	vst.idx.msk $0xffff, v10  }
0x69: {  	v10 =	vadd.f32 v12, v14;
	v12 =	vmul.f32 v24, v3;
	v22 =	vld [tilespmem:s5+$0x20]  }
0x6a: {  	v26 =	vmul.f32 v13, v4;
	v24 =	vld [tilespmem:s5+$0x30]  }
0x6b: {  	v23 =	vld [tilespmem:s5+$0xFFFFFF40];
	v19 =	vadd.f32 v10, v11;
	v27 =	vmul.f32 v25, v7;
	v25 =	vadd.f32 v12, v28;
	s5 =	sadd.s32 $0x180, s5  }
0x6c: {  	v28 =	vld [tilespmem:s18+$0xFFFFFF90]  }
0x6d: {  	v29 =	vld [tilespmem:s18+$0xFFFFFFA0]  }
0x6e: {  	v30 =	vld [tilespmem:s18+$0xFFFFFFB0]  }
0x6f: {  	v31 =	vld [tilespmem:s18+$0xFFFFFFC0]  }
0x70: {  	v32 =	vld [tilespmem:s18+$0xFFFFFFD0]  }
0x71: {  	v33 =	vld [tilespmem:s18+$0xFFFFFFE0]  }
0x72: {  	v8 =	vmul.f32 v20, v8;
	v20 =	vld [tilespmem:s18+$0xFFFFFFF0]  }
0x73: {  	v55 =	vld [tilespmem:s18+$0xFFFFFED0]  }
0x74: {  	v57 =	vld [tilespmem:s18+$0xFFFFFEE0]  }
0x75: {  	s5 =	sor.u32 $0x80, s29;
	v59 =	vld [tilespmem:s18+$0xFFFFFEF0]  }
0x76: {  	s5 =	sand.u32 $0x3FFFFF80, s5;
	v9 =	vmul.f32 v21, v9;
	v21 =	vld [tilespmem:s18+$0x0]  }
0x77: {  	v3 =	vld [tilespmem:s5+$0x2C00]  }
0x78: {  	v4 =	vld [tilespmem:s5+$0x2C10]  }
0x79: {  	v7 =	vld [tilespmem:s5+$0x2C20]  }
0x7a: {  	v14 =	vld [tilespmem:s5+$0x2C30]  }
0x7b: {  	v10 =	vld [tilespmem:s5+$0x2C40]  }
0x7c: {  	v11 =	vld [tilespmem:s5+$0x2C50];
	v5 =	vmul.f32 v22, v5;
	v6 =	vmul.f32 v24, v6  }
0x7d: {  	v12 =	vld [tilespmem:s5+$0x2C60];
	v22 =	vadd.f32 v27, v26;
	v2 =	vmul.f32 v23, v2  }
0x7e: {  	v13 =	vld [tilespmem:s5+$0x2C70];
	v8 =	vadd.f32 v9, v8;
	v5 =	vadd.f32 v6, v5  }
0x7f: {  	v60 =	vld [tilespmem:s18+$0xFFFFFF40];
	v9 =	vadd.f32 v22, v25;
	v2 =	vadd.f32 v17, v2  }
0x80: {  	v6 =	vld [tilespmem:s18+$0xFFFFFEB0];
	v5 =	vadd.f32 v5, v8;
	v8 =	vmul.f32 v28, v3;
	v22 =	vmul.f32 v29, v4  }
0x81: {  	v17 =	vld [tilespmem:s18+$0xFFFFFEC0];
	v56 =	vmul.f32 v31, v14;
	v58 =	vmul.f32 v33, v11;
	v2 =	vadd.f32 v18, v2  }
0x82: {  	v23 =	vld [tilespmem:s18+$0xFFFFFEA0];
	v18 =	vmul.f32 v30, v7;
	v5 =	vadd.f32 v5, v9;
	v9 =	vmul.f32 v32, v10  }
0x83: {  	v2 =	vadd.f32 v19, v2;
	v19 =	vmul.f32 v20, v12;
	v20 =	vmul.f32 v21, v13;
	v21 =	vld [tilespmem:s18+$0xFFFFFF00]  }
0x84: {  	[tilespmem:v16+s25+$0x0] =	vst.idx.msk $0xffff, v5;
	v5 =	vadd.f32 v22, v8;
	v8 =	vadd.f32 v56, v18;
	v18 =	vld [tilespmem:s18+$0xFFFFFF10]  }
0x85: {  	v6 =	vmul.f32 v6, v7;
	v9 =	vadd.f32 v58, v9;
	v16 =	vadd.f32 v20, v19;
	v19 =	vld [tilespmem:s18+$0xFFFFFF20]  }
0x86: {  	v22 =	vld [tilespmem:s18+$0xFFFFFF30];
	[tilespmem:v15+s25+$0x0] =	vst.idx.msk $0xffff, v2;
	v2 =	vmul.f32 v17, v14;
	v20 =	vadd.s32 s17, v0;
	v17 =	vmul.f32 v55, v10  }
0x87: {  	v8 =	vadd.f32 v8, v5;
	v9 =	vadd.f32 v16, v9;
	v16 =	vmul.f32 v57, v11  }
0x88: {  	v15 =	vld [tilespmem:s18+$0xFFFFFF50];
	v6 =	vadd.f32 v2, v6;
	v2 =	vmul.f32 v59, v12;
	v21 =	vmul.f32 v21, v13  }
0x89: {  	v5 =	vmul.f32 v23, v4;
	v9 =	vadd.f32 v9, v8;
	v23 =	vadd.f32 v16, v17;
	v16 =	vld [tilespmem:s18+$0xFFFFFF60]  }
0x8a: {  	s7 =	sadd.s32 $0xFFFFFFF0, s17;
	v61 =	vmul.f32 v18, v3;
	v17 =	vld [tilespmem:s18+$0xFFFFFF70];
	v62 =	vadd.f32 v21, v2;
	v63 =	vmul.f32 v19, v4  }
0x8b: {  	s29 =	sadd.s32 $0xFFFFFFE0, s17;
	v8 =	vadd.s32 s7, v0;
	v21 =	vmul.f32 v22, v7;
	v19 =	vld [tilespmem:s18+$0xFFFFFF80];
	v22 =	vmul.f32 v60, v14  }
0x8c: {  	s11 =	simm.s32 $0x0;
	s15 =	smov.u32 s17;
	s5 =	sadd.s32 $0x180, s18;
	v18 =	vld [tilespmem:s18+$0xFFFFFE90];
	v2 =	vadd.s32 s29, v0;
	[tilespmem:v20+s25+$0x0] =	vst.idx.msk $0xffff, v9;
	v9 =	vadd.f32 v62, v23;
	v20 =	vadd.f32 v63, v61  }
.LBB2_6:
0x8d: {  	v23 =	vld [tilespmem:s5+$0xFFFFFF90];
	v15 =	vmul.f32 v15, v10  }
0x8e: {  	v24 =	vld [tilespmem:s5+$0xFFFFFFA0];
	v16 =	vmul.f32 v16, v11;
	v21 =	vadd.f32 v22, v21  }
0x8f: {  	v22 =	vld [tilespmem:s5+$0xFFFFFFB0];
	v17 =	vmul.f32 v17, v12  }
0x90: {  	v25 =	vld [tilespmem:s5+$0xFFFFFFC0];
	v19 =	vmul.f32 v19, v13;
	v15 =	vadd.f32 v16, v15;
	v16 =	vadd.f32 v21, v20  }
0x91: {  	v20 =	vld [tilespmem:s5+$0xFFFFFFD0];
	v18 =	vmul.f32 v18, v3  }
0x92: {  	v21 =	vld [tilespmem:s5+$0xFFFFFFE0];
	v17 =	vadd.f32 v19, v17  }
0x93: {  	v19 =	vld [tilespmem:s5+$0xFFFFFFF0];
	v5 =	vadd.f32 v5, v18  }
0x94: {  	s11 =	sadd.s32 $0x3, s11;
	v18 =	vld [tilespmem:s5+$0x0];
	v15 =	vadd.f32 v17, v15  }
0x95: {  	p0 =	slt.u32 s11, $0x12;
	v17 =	vld [tilespmem:s5+$0xFFFFFEA0];
	v5 =	vadd.f32 v6, v5  }
0x96: {  	v23 =	vmul.f32 v23, v3;
	v24 =	vmul.f32 v24, v4;
	v6 =	vld [tilespmem:s5+$0xFFFFFEB0];
	v15 =	vadd.f32 v15, v16  }
0x97: {  	v22 =	vmul.f32 v22, v7;
	v25 =	vmul.f32 v25, v14;
	v16 =	vld [tilespmem:s5+$0xFFFFFEC0];
	v5 =	vadd.f32 v9, v5  }
0x98: {  	v20 =	vmul.f32 v20, v10;
	v21 =	vmul.f32 v21, v11;
	v9 =	vld [tilespmem:s5+$0xFFFFFED0];
	[tilespmem:v8+s25+$0x0] =	vst.idx.msk $0xffff, v15  }
0x99: {  	v15 =	vmul.f32 v19, v12;
	v8 =	vld [tilespmem:s5+$0xFFFFFEE0];
	v18 =	vmul.f32 v18, v13;
	[tilespmem:v2+s25+$0x0] =	vst.idx.msk $0xffff, v5  }
0x9a: {  	v19 =	vadd.f32 v25, v22;
	v2 =	vadd.f32 v24, v23;
	v5 =	vmul.f32 v17, v4;
	v17 =	vld [tilespmem:s5+$0xFFFFFEF0]  }
0x9b: {  	s15 =	sadd.s32 $0x30, s15;
	v20 =	vadd.f32 v21, v20;
	v6 =	vmul.f32 v6, v7;
	v22 =	vld [tilespmem:s5+$0xFFFFFF00];
	v15 =	vadd.f32 v18, v15  }
0x9c: {  	s7 =	sadd.s32 $0xFFFFFFE0, s15;
	s8 =	sadd.s32 $0xFFFFFFF0, s15;
	v21 =	vadd.s32 s15, v0;
	v16 =	vmul.f32 v16, v14;
	v18 =	vld [tilespmem:s5+$0xFFFFFF10]  }
0x9d: {  	v19 =	vadd.f32 v19, v2;
	v9 =	vmul.f32 v9, v10;
	v23 =	vld [tilespmem:s5+$0xFFFFFF20];
	v15 =	vadd.f32 v15, v20  }
0x9e: {  	v2 =	vadd.s32 s7, v0;
	v20 =	vmul.f32 v8, v11;
	v6 =	vadd.f32 v16, v6;
	v24 =	vld [tilespmem:s5+$0xFFFFFF30]  }
0x9f: {  	v8 =	vadd.s32 s8, v0;
	v17 =	vmul.f32 v17, v12;
	v25 =	vld [tilespmem:s5+$0xFFFFFF40];
	v19 =	vadd.f32 v15, v19  }
.Ltmp1:
0xa0: {  	v22 =	vmul.f32 v22, v13;
	v9 =	vadd.f32 v20, v9;
	v15 =	vld [tilespmem:s5+$0xFFFFFF50];
	(pc) =	sbr.rel @p0 .LBB2_6-.Ltmp1, $4  }
0xa1: {  	v20 =	vmul.f32 v18, v3;
	v16 =	vld [tilespmem:s5+$0xFFFFFF60];
	[tilespmem:v21+s25+$0x0] =	vst.idx.msk $0xffff, v19  }
0xa2: {  	v22 =	vadd.f32 v22, v17;
	v23 =	vmul.f32 v23, v4;
	v17 =	vld [tilespmem:s5+$0xFFFFFF70]  }
0xa3: {  	v21 =	vmul.f32 v24, v7;
	v19 =	vld [tilespmem:s5+$0xFFFFFF80]  }
0xa4: {  	v18 =	vld [tilespmem:s5+$0xFFFFFE90];
	v9 =	vadd.f32 v22, v9;
	v22 =	vmul.f32 v25, v14;
	v20 =	vadd.f32 v23, v20;
	s5 =	sadd.s32 $0x180, s5  }
0xa5: {  	_ =	sdelay $0x1  }
0xa6: {  	v4 =	vmul.f32 v15, v10;
	v7 =	vmul.f32 v16, v11  }
0xa7: {  	v59 =	vmul.f32 v17, v12;
	v60 =	vmul.f32 v19, v13  }
0xa8: {  	v61 =	vadd.f32 v22, v21;
	v3 =	vmul.f32 v18, v3  }
0xa9: {  	v4 =	vadd.f32 v7, v4;
	v62 =	vadd.f32 v60, v59  }
0xaa: {  	v3 =	vadd.f32 v5, v3  }
0xab: {  	p0 =	slt.u32 s19, $0xE;
	v63 =	vadd.f32 v61, v20;
	v4 =	vadd.f32 v62, v4  }
.Ltmp2:
0xac: {  	v3 =	vadd.f32 v6, v3;
	(pc) =	sbr.rel @p0 .LBB2_3-.Ltmp2, $4  }
0xad: {  	v4 =	vadd.f32 v4, v63  }
0xae: {  	v3 =	vadd.f32 v9, v3  }
0xaf: {  	s5 =	sadd.s32 $0x2, s19;
	s6 =	sadd.s32 $0x2, s6;
	s16 =	sadd.s32 $0x1500, s16;
	[tilespmem:v8+s25+$0x0] =	vst.idx.msk $0xffff, v4  }
0xb0: {  	s17 =	sadd.s32 $0x2, s17;
	s18 =	sadd.s32 $0x1500, s18;
	s19 =	smov.u32 s5;
	[tilespmem:v2+s25+$0x0] =	vst.idx.msk $0xffff, v3  }
0xb1: {  	v2 =	vld [tilespmem:$0x18C00]  }
0xb2: {  	v3 =	vld [tilespmem:$0x18D50];
	_ =	sdelay $0x1  }
0xb3: {  	v4 =	vld [tilespmem:$0x18EA0];
	_ =	sdelay $0x1  }
0xb4: {  	v5 =	vld [tilespmem:$0x18FF0]  }
0xb5: {  	v2 =	vadd.f32 v3, v2  }
0xb6: {  	v3 =	vld [tilespmem:$0x19140]  }
0xb7: {  	v2 =	vadd.f32 v4, v2  }
0xb8: {  	v4 =	vld [tilespmem:$0x19290]  }
0xb9: {  	v2 =	vadd.f32 v5, v2  }
0xba: {  	v5 =	vld [tilespmem:$0x193E0]  }
0xbb: {  	v2 =	vadd.f32 v3, v2  }
0xbc: {  	v3 =	vld [tilespmem:$0x19530]  }
0xbd: {  	v2 =	vadd.f32 v4, v2  }
0xbe: {  	v4 =	vld [tilespmem:$0x19680]  }
0xbf: {  	v2 =	vadd.f32 v5, v2  }
0xc0: {  	v5 =	vld [tilespmem:$0x197D0]  }
0xc1: {  	v2 =	vadd.f32 v3, v2  }
0xc2: {  	v3 =	vld [tilespmem:$0x19920]  }
0xc3: {  	v2 =	vadd.f32 v4, v2  }
0xc4: {  	v4 =	vld [tilespmem:$0x19A70]  }
0xc5: {  	v2 =	vadd.f32 v5, v2  }
0xc6: {  	v5 =	vld [tilespmem:$0x19BC0]  }
0xc7: {  	v2 =	vadd.f32 v3, v2  }
0xc8: {  	v3 =	vld [tilespmem:$0x19D10]  }
0xc9: {  	v2 =	vadd.f32 v4, v2  }
0xca: {  	v4 =	vld [tilespmem:$0x19E60]  }
0xcb: {  	v2 =	vadd.f32 v5, v2  }
0xcc: {  	v5 =	vld [tilespmem:$0x19FB0]  }
0xcd: {  	v2 =	vadd.f32 v3, v2;
	_ =	sdelay $0x1  }
0xce: {  	v2 =	vadd.f32 v4, v2;
	_ =	sdelay $0x1  }
0xcf: {  	v2 =	vadd.f32 v5, v2;
	_ =	sdelay $0x1  }
0xd0: {  	s5 =	sshll.u32 s0, $0x5;
	v2 =	vmax.f32 v2, $-1.000000000e+01  }
0xd1: {  	s5 =	sand.u32 $0x3FFFFFE0, s5;
	v2 =	vmin.f32 v2, $1.000000000e+01  }
0xd2: {  	s19 =	simm.s32 $0x197E0;
	[tilespmem:s5+$0x1A100] =	vst v2  }
0xd3: {  	v2 =	vld [tilespmem:s19+$0xFFFFF440]  }
0xd4: {  	v3 =	vld [tilespmem:s19+$0xFFFFF590]  }
0xd5: {  	v4 =	vld [tilespmem:s19+$0xFFFFF580]  }
0xd6: {  	v5 =	vld [tilespmem:s19+$0xFFFFF6E0]  }
0xd7: {  	v6 =	vld [tilespmem:s19+$0xFFFFF430]  }
0xd8: {  	v7 =	vld [tilespmem:s19+$0xFFFFF830]  }
0xd9: {  	v8 =	vld [tilespmem:s19+$0xFFFFF6D0];
	v2 =	vadd.f32 v3, v2  }
0xda: {  	v3 =	vld [tilespmem:s19+$0xFFFFF980]  }
0xdb: {  	v9 =	vld [tilespmem:s19+$0xFFFFF820];
	v2 =	vadd.f32 v5, v2  }
0xdc: {  	v4 =	vadd.f32 v4, v6;
	v5 =	vld [tilespmem:s19+$0xFFFFFAD0]  }
0xdd: {  	v6 =	vld [tilespmem:s19+$0xFFFFF970];
	v2 =	vadd.f32 v7, v2  }
0xde: {  	v4 =	vadd.f32 v8, v4;
	v7 =	vld [tilespmem:s19+$0xFFFFFC20]  }
0xdf: {  	v8 =	vld [tilespmem:s19+$0xFFFFFAC0];
	v2 =	vadd.f32 v3, v2  }
0xe0: {  	s6 =	simm.s32 $0x20;
	v3 =	vadd.f32 v9, v4;
	v4 =	vld [tilespmem:s19+$0xFFFFFD70]  }
0xe1: {  	s6 =	sand.u32 $0x3F0, s6;
	v9 =	vld [tilespmem:s19+$0xFFFFFC10];
	v2 =	vadd.f32 v5, v2  }
0xe2: {  	v3 =	vadd.f32 v6, v3;
	v5 =	vld [tilespmem:s6+$0x19680]  }
0xe3: {  	s15 =	simm.s32 $0x10;
	v6 =	vld [tilespmem:s19+$0xFFFFFD60];
	v2 =	vadd.f32 v7, v2  }
0xe4: {  	s29 =	sand.u32 $0x1F0, s15;
	v3 =	vadd.f32 v8, v3;
	v7 =	vld [tilespmem:s19+$0x10]  }
0xe5: {  	v8 =	vld [tilespmem:s29+$0x19680];
	v2 =	vadd.f32 v4, v2  }
0xe6: {  	v3 =	vadd.f32 v9, v3;
	v4 =	vld [tilespmem:s19+$0x160]  }
0xe7: {  	v9 =	vld [tilespmem:s19+$0x0];
	v2 =	vadd.f32 v5, v2  }
0xe8: {  	v3 =	vadd.f32 v6, v3;
	v5 =	vld [tilespmem:s19+$0x2B0]  }
0xe9: {  	v6 =	vld [tilespmem:s19+$0x150];
	v2 =	vadd.f32 v7, v2  }
0xea: {  	v3 =	vadd.f32 v8, v3;
	v7 =	vld [tilespmem:s19+$0x400]  }
0xeb: {  	v8 =	vld [tilespmem:s19+$0x2A0];
	v2 =	vadd.f32 v4, v2  }
0xec: {  	v3 =	vadd.f32 v9, v3;
	v9 =	vld [tilespmem:s19+$0x550]  }
0xed: {  	v10 =	vld [tilespmem:s19+$0x3F0];
	v2 =	vadd.f32 v5, v2  }
0xee: {  	v3 =	vadd.f32 v6, v3;
	v5 =	vld [tilespmem:s19+$0x6A0]  }
0xef: {  	v6 =	vld [tilespmem:s19+$0x540];
	v7 =	vadd.f32 v7, v2  }
0xf0: {  	v3 =	vadd.f32 v8, v3;
	v2 =	vld [tilespmem:s19+$0x7F0]  }
0xf1: {  	v4 =	vld [tilespmem:s19+$0x690];
	v7 =	vadd.f32 v9, v7  }
0xf2: {  	s16 =	simm.s32 $0x1;
	s17 =	simm.s32 $0x19800;
	s5 =	sadd.s32 $0xFFFFFFFF, s31;
	v8 =	vadd.f32 v10, v3;
	v3 =	vld [tilespmem:s19+$0x7E0]  }
.LBB2_9:
0xf3: {  	v9 =	vld [tilespmem:s17+$0xFFFFF440];
	s6 =	sadd.s32 $0x2, s5;
	s7 =	sadd.s32 $0x1, s5;
	v5 =	vadd.f32 v5, v7;
	s5 =	smov.u32 s16  }
0xf4: {  	s16 =	sadd.s32 $0x2, s16;
	v7 =	vld [tilespmem:s17+$0xFFFFF590];
	v6 =	vadd.f32 v6, v8;
	v8 =	vadd.s32 s7, v1;
	v10 =	vadd.s32 s6, v1  }
0xf5: {  	p0 =	slt.u32 s16, $0x13;
	v11 =	vld [tilespmem:s17+$0xFFFFF580];
	v2 =	vadd.f32 v2, v5  }
0xf6: {  	v5 =	vld [tilespmem:s17+$0xFFFFF6E0];
	v4 =	vadd.f32 v4, v6  }
0xf7: {  	v6 =	vld [tilespmem:s17+$0xFFFFF430];
	v2 =	vmax.f32 v2, $-1.000000000e+01  }
0xf8: {  	v12 =	vld [tilespmem:s17+$0xFFFFF830];
	v3 =	vadd.f32 v3, v4;
	v2 =	vmin.f32 v2, $1.000000000e+01  }
0xf9: {  	v4 =	vld [tilespmem:s17+$0xFFFFF6D0];
	v7 =	vadd.f32 v7, v9;
	[tilespmem:v10+s26+$0x0] =	vst.idx.msk $0xffff, v2  }
0xfa: {  	v2 =	vld [tilespmem:s17+$0xFFFFF980];
	v3 =	vmax.f32 v3, $-1.000000000e+01  }
0xfb: {  	v9 =	vld [tilespmem:s17+$0xFFFFF820];
	v5 =	vadd.f32 v5, v7;
	v3 =	vmin.f32 v3, $1.000000000e+01  }
0xfc: {  	v6 =	vadd.f32 v11, v6;
	v7 =	vld [tilespmem:s17+$0xFFFFFAD0];
	[tilespmem:v8+s26+$0x0] =	vst.idx.msk $0xffff, v3  }
0xfd: {  	v3 =	vld [tilespmem:s17+$0xFFFFF970];
	v5 =	vadd.f32 v12, v5  }
0xfe: {  	v4 =	vadd.f32 v4, v6;
	v6 =	vld [tilespmem:s17+$0xFFFFFC20]  }
0xff: {  	s15 =	sadd.s32 $0x20, s15;
	v8 =	vld [tilespmem:s17+$0xFFFFFAC0];
	v2 =	vadd.f32 v2, v5  }
0x100: {  	s6 =	sand.u32 $0x1F0, s15;
	s7 =	sadd.s32 $0x10, s15;
	v4 =	vadd.f32 v9, v4;
	v5 =	vld [tilespmem:s17+$0xFFFFFD70]  }
0x101: {  	s7 =	sand.u32 $0x3F0, s7;
	v9 =	vld [tilespmem:s17+$0xFFFFFC10];
	v2 =	vadd.f32 v7, v2  }
0x102: {  	v3 =	vadd.f32 v3, v4;
	v4 =	vld [tilespmem:s7+$0x19680]  }
0x103: {  	v7 =	vld [tilespmem:s17+$0xFFFFFD60];
	v2 =	vadd.f32 v6, v2  }
0x104: {  	v3 =	vadd.f32 v8, v3;
	v6 =	vld [tilespmem:s17+$0x10]  }
0x105: {  	v8 =	vld [tilespmem:s6+$0x19680];
	v2 =	vadd.f32 v5, v2  }
0x106: {  	v3 =	vadd.f32 v9, v3;
	v5 =	vld [tilespmem:s17+$0x160]  }
0x107: {  	v9 =	vld [tilespmem:s17+$0x0];
	v2 =	vadd.f32 v4, v2  }
0x108: {  	v3 =	vadd.f32 v7, v3;
	v4 =	vld [tilespmem:s17+$0x2B0]  }
0x109: {  	v7 =	vld [tilespmem:s17+$0x150];
	v2 =	vadd.f32 v6, v2  }
0x10a: {  	v3 =	vadd.f32 v8, v3;
	v8 =	vld [tilespmem:s17+$0x400]  }
0x10b: {  	v10 =	vld [tilespmem:s17+$0x2A0];
	v2 =	vadd.f32 v5, v2  }
0x10c: {  	v3 =	vadd.f32 v9, v3;
	v9 =	vld [tilespmem:s17+$0x550]  }
0x10d: {  	v11 =	vld [tilespmem:s17+$0x3F0];
	v2 =	vadd.f32 v4, v2  }
.Ltmp3:
0x10e: {  	v3 =	vadd.f32 v7, v3;
	v5 =	vld [tilespmem:s17+$0x6A0];
	(pc) =	sbr.rel @p0 .LBB2_9-.Ltmp3, $4  }
0x10f: {  	v6 =	vld [tilespmem:s17+$0x540];
	v7 =	vadd.f32 v8, v2  }
0x110: {  	v3 =	vadd.f32 v10, v3;
	v2 =	vld [tilespmem:s17+$0x7F0]  }
0x111: {  	v4 =	vld [tilespmem:s17+$0x690];
	v7 =	vadd.f32 v9, v7  }
0x112: {  	s5 =	sadd.s32 s5, s31;
	v8 =	vadd.f32 v11, v3;
	v3 =	vld [tilespmem:s17+$0x7E0];
	s17 =	sadd.s32 $0x20, s17  }
0x113: {  	_ = 	snop  }
0x114: {  	v6 =	vadd.f32 v6, v8  }
0x115: {  	s6 =	sadd.s32 $0x2, s5;
	v5 =	vadd.f32 v5, v7  }
0x116: {  	s29 =	sadd.s32 $0x1, s5;
	v62 =	vadd.s32 s6, v1;
	v4 =	vadd.f32 v4, v6  }
0x117: {  	v63 =	vadd.s32 s29, v1;
	v2 =	vadd.f32 v2, v5  }
0x118: {  	p0 =	seq.s32 s0, $0xF;
	v3 =	vadd.f32 v3, v4  }
0x119: {  	s5 =	sadd.s32 @!p0 $0x2, s13;
	v2 =	vmax.f32 v2, $-1.000000000e+01  }
0x11a: {  	s6 =	sshll.u32 @!p0 s5, $0x4;
	s5 =	smul.u32 @!p0 $0x540, s5;
	v2 =	vmin.f32 v2, $1.000000000e+01;
	v3 =	vmax.f32 v3, $-1.000000000e+01  }
0x11b: {  	s7 =	simm.s32 @!p0 $0x10;
	[tilespmem:v62+s26+$0x0] =	vst.idx.msk $0xffff, v2;
	v2 =	vmin.f32 v3, $1.000000000e+01  }
0x11c: {  	s8 =	simm.s32 @!p0 $0x2C00;
	s6 =	sand.u32 @!p0 $0x3FFFFFF0, s6;
	s5 =	sshra.s32 @!p0 s5, $0x2;
	[tilespmem:v63+s26+$0x0] =	vst.idx.msk $0xffff, v2  }
0x11d: {  	[tilespmem:s8], [sflag:$0x1] =	stream.indirect.gather @!p0 [hbm4b:s1+s7], $0x80, s6, s7, $0xb8;
	[tilespmem:$0x1CB00] =	vst v63  }
0x11e: {  	s6 =	sadd.s32 @!p0 $0x200, s5;
	s7 =	simm.s32 @!p0 $0x70;
	s8 =	simm.s32 @!p0 $0x3C00  }
0x11f: {  	[tilespmem:s8], [sflag:$0x1] =	stream.indirect.gather @!p0 [hbm4b:s2+s7], $0x80, s6, s7, $0xb8;
	[tilespmem:$0x1CB00] =	vst v63  }
0x120: {  	s6 =	sadd.s32 @!p0 $0x270, s5;
	s8 =	simm.s32 @!p0 $0x7400  }
0x121: {  	[tilespmem:s8], [sflag:$0x1] =	stream.indirect.gather @!p0 [hbm4b:s2+s7], $0x80, s6, s7, $0xb8;
	[tilespmem:$0x1CB00] =	vst v63  }
0x122: {  	s5 =	sadd.s32 @!p0 $0x2E0, s5;
	s6 =	simm.s32 @!p0 $0xAC00  }
0x123: {  	[tilespmem:s6], [sflag:$0x1] =	stream.indirect.gather @!p0 [hbm4b:s2+s7], $0x80, s5, s7, $0xb8;
	[tilespmem:$0x1CB00] =	vst v63  }
0x124: {  	_ =	swait.ge [sflag:s28], $0x800  }
0x125: {  	[sflag:s28] =	ssyncset.done $0x0  }
0x126: {  	[sflag:s28] =	ssyncadd.s32 $0xFFFFF800  }
0x127: {  	s18 =	simm.s32 $0x0;
	_ =	swait.ge [sflag:s28], $0xA800  }
0x128: {  	s15 =	simm.s32 $0xE570;
	s16 =	simm.s32 $0x21;
	[sflag:s28] =	ssyncset.done $0x0  }
0x129: {  	s17 =	simm.s32 $0xEFF0;
	s13 =	simm.s32 $0x20;
	[sflag:s28] =	ssyncadd.s32 $0xFFFF5800  }
.LBB2_11:
0x12a: {  	v10 =	vld [tilespmem:s15+$0xFFFFFF90]  }
0x12b: {  	v11 =	vld [tilespmem:s15+$0xFFFFFFA0]  }
0x12c: {  	v12 =	vld [tilespmem:s15+$0xFFFFFFB0]  }
0x12d: {  	v13 =	vld [tilespmem:s15+$0xFFFFFFC0]  }
0x12e: {  	v14 =	vld [tilespmem:s15+$0xFFFFFFD0]  }
0x12f: {  	v15 =	vld [tilespmem:s15+$0xFFFFFFE0]  }
0x130: {  	v16 =	vld [tilespmem:s15+$0xFFFFFFF0]  }
0x131: {  	v17 =	vld [tilespmem:s15+$0x0]  }
0x132: {  	v19 =	vld [tilespmem:s15+$0xFFFFFEA0]  }
0x133: {  	s19 =	sshll.u32 s18, $0x7;
	v18 =	vld [tilespmem:s15+$0xFFFFFEB0]  }
0x134: {  	v20 =	vld [tilespmem:s15+$0xFFFFFEC0];
	s5 =	sand.u32 $0x3FFFFF80, s19  }
0x135: {  	v2 =	vld [tilespmem:s5+$0x3400]  }
0x136: {  	v3 =	vld [tilespmem:s5+$0x3410]  }
0x137: {  	v4 =	vld [tilespmem:s5+$0x3420]  }
0x138: {  	v7 =	vld [tilespmem:s5+$0x3430]  }
0x139: {  	v8 =	vld [tilespmem:s5+$0x3440]  }
0x13a: {  	v9 =	vld [tilespmem:s5+$0x3450]  }
0x13b: {  	v5 =	vld [tilespmem:s5+$0x3460]  }
0x13c: {  	v6 =	vld [tilespmem:s5+$0x3470]  }
0x13d: {  	v21 =	vld [tilespmem:s15+$0xFFFFFED0]  }
0x13e: {  	v22 =	vld [tilespmem:s15+$0xFFFFFEE0];
	v10 =	vmul.f32 v10, v2;
	v11 =	vmul.f32 v11, v3  }
0x13f: {  	v23 =	vld [tilespmem:s15+$0xFFFFFEF0];
	v12 =	vmul.f32 v12, v4;
	v13 =	vmul.f32 v13, v7  }
0x140: {  	v24 =	vld [tilespmem:s15+$0xFFFFFF00];
	v14 =	vmul.f32 v14, v8;
	v15 =	vmul.f32 v15, v9  }
0x141: {  	v26 =	vld [tilespmem:s15+$0xFFFFFF30];
	v16 =	vmul.f32 v16, v5;
	v17 =	vmul.f32 v17, v6  }
0x142: {  	v10 =	vadd.f32 v11, v10;
	v11 =	vadd.f32 v13, v12;
	v12 =	vld [tilespmem:s15+$0xFFFFFF10]  }
0x143: {  	v21 =	vmul.f32 v21, v8;
	v14 =	vadd.f32 v15, v14;
	v15 =	vadd.f32 v17, v16;
	v16 =	vld [tilespmem:s15+$0xFFFFFF20]  }
0x144: {  	v25 =	vadd.s32 s13, v0;
	v27 =	vld [tilespmem:s15+$0xFFFFFF40];
	v13 =	vmul.f32 v18, v4;
	v17 =	vmul.f32 v20, v7  }
0x145: {  	v10 =	vadd.f32 v11, v10;
	v11 =	vadd.f32 v15, v14;
	v14 =	vmul.f32 v22, v9  }
0x146: {  	v20 =	vld [tilespmem:s15+$0xFFFFFF50];
	v18 =	vadd.f32 v17, v13;
	v13 =	vmul.f32 v23, v5;
	v15 =	vmul.f32 v24, v6  }
0x147: {  	v26 =	vmul.f32 v26, v4;
	v10 =	vadd.f32 v11, v10;
	v11 =	vadd.f32 v14, v21;
	v21 =	vld [tilespmem:s15+$0xFFFFFF60]  }
0x148: {  	s29 =	sadd.s32 $0xFFFFFFE0, s13;
	v22 =	vld [tilespmem:s15+$0xFFFFFF70];
	v13 =	vadd.f32 v15, v13;
	v12 =	vmul.f32 v12, v2;
	v14 =	vmul.f32 v16, v3  }
0x149: {  	s6 =	sadd.s32 $0xFFFFFFF0, s13;
	v27 =	vmul.f32 v27, v7;
	v17 =	vmul.f32 v19, v3;
	v24 =	vld [tilespmem:s15+$0xFFFFFF80];
	v15 =	vadd.s32 s29, v0  }
0x14a: {  	s11 =	simm.s32 $0x0;
	s5 =	sadd.s32 $0x180, s15;
	v23 =	vld [tilespmem:s15+$0xFFFFFE90];
	v16 =	vadd.s32 s6, v0;
	s6 =	smov.u32 s13;
	[tilespmem:v25+s25+$0x0] =	vst.idx.msk $0xffff, v10;
	v19 =	vadd.f32 v13, v11;
	v25 =	vadd.f32 v14, v12  }
.LBB2_12:
0x14b: {  	v10 =	vld [tilespmem:s5+$0xFFFFFF90];
	v11 =	vmul.f32 v20, v8  }
0x14c: {  	v12 =	vld [tilespmem:s5+$0xFFFFFFA0];
	v13 =	vmul.f32 v21, v9;
	v14 =	vadd.f32 v27, v26  }
0x14d: {  	v20 =	vld [tilespmem:s5+$0xFFFFFFB0];
	v21 =	vmul.f32 v22, v5  }
0x14e: {  	v22 =	vld [tilespmem:s5+$0xFFFFFFC0];
	v24 =	vmul.f32 v24, v6;
	v11 =	vadd.f32 v13, v11;
	v13 =	vadd.f32 v14, v25  }
0x14f: {  	v14 =	vld [tilespmem:s5+$0xFFFFFFD0];
	v23 =	vmul.f32 v23, v2  }
0x150: {  	v25 =	vld [tilespmem:s5+$0xFFFFFFE0];
	v21 =	vadd.f32 v24, v21  }
0x151: {  	v24 =	vld [tilespmem:s5+$0xFFFFFFF0];
	v17 =	vadd.f32 v17, v23  }
0x152: {  	s11 =	sadd.s32 $0x3, s11;
	v23 =	vld [tilespmem:s5+$0x0];
	v11 =	vadd.f32 v21, v11  }
0x153: {  	p0 =	slt.u32 s11, $0x12;
	v21 =	vld [tilespmem:s5+$0xFFFFFEA0];
	v17 =	vadd.f32 v18, v17  }
0x154: {  	v10 =	vmul.f32 v10, v2;
	v12 =	vmul.f32 v12, v3;
	v18 =	vld [tilespmem:s5+$0xFFFFFEB0];
	v11 =	vadd.f32 v11, v13  }
0x155: {  	v20 =	vmul.f32 v20, v4;
	v22 =	vmul.f32 v22, v7;
	v13 =	vld [tilespmem:s5+$0xFFFFFEC0];
	v17 =	vadd.f32 v19, v17  }
0x156: {  	v14 =	vmul.f32 v14, v8;
	v25 =	vmul.f32 v25, v9;
	v19 =	vld [tilespmem:s5+$0xFFFFFED0];
	[tilespmem:v16+s25+$0x0] =	vst.idx.msk $0xffff, v11  }
0x157: {  	v16 =	vmul.f32 v24, v5;
	v11 =	vld [tilespmem:s5+$0xFFFFFEE0];
	v23 =	vmul.f32 v23, v6;
	[tilespmem:v15+s25+$0x0] =	vst.idx.msk $0xffff, v17  }
0x158: {  	v10 =	vadd.f32 v12, v10;
	v12 =	vadd.f32 v22, v20;
	v17 =	vmul.f32 v21, v3;
	v21 =	vld [tilespmem:s5+$0xFFFFFEF0]  }
0x159: {  	s6 =	sadd.s32 $0x30, s6;
	v14 =	vadd.f32 v25, v14;
	v15 =	vmul.f32 v18, v4;
	v20 =	vld [tilespmem:s5+$0xFFFFFF00];
	v16 =	vadd.f32 v23, v16  }
0x15a: {  	s7 =	sadd.s32 $0xFFFFFFE0, s6;
	s8 =	sadd.s32 $0xFFFFFFF0, s6;
	v23 =	vadd.s32 s6, v0;
	v13 =	vmul.f32 v13, v7;
	v22 =	vld [tilespmem:s5+$0xFFFFFF10]  }
0x15b: {  	v10 =	vadd.f32 v12, v10;
	v19 =	vmul.f32 v19, v8;
	v24 =	vld [tilespmem:s5+$0xFFFFFF20];
	v12 =	vadd.f32 v16, v14  }
0x15c: {  	v11 =	vmul.f32 v11, v9;
	v18 =	vadd.f32 v13, v15;
	v15 =	vadd.s32 s7, v0;
	v13 =	vld [tilespmem:s5+$0xFFFFFF30]  }
0x15d: {  	v16 =	vadd.s32 s8, v0;
	v14 =	vmul.f32 v21, v5;
	v25 =	vld [tilespmem:s5+$0xFFFFFF40];
	v10 =	vadd.f32 v12, v10  }
.Ltmp4:
0x15e: {  	v12 =	vmul.f32 v20, v6;
	v11 =	vadd.f32 v11, v19;
	v20 =	vld [tilespmem:s5+$0xFFFFFF50];
	(pc) =	sbr.rel @p0 .LBB2_12-.Ltmp4, $4  }
0x15f: {  	v28 =	vmul.f32 v22, v2;
	v21 =	vld [tilespmem:s5+$0xFFFFFF60];
	[tilespmem:v23+s25+$0x0] =	vst.idx.msk $0xffff, v10  }
0x160: {  	v10 =	vadd.f32 v12, v14;
	v12 =	vmul.f32 v24, v3;
	v22 =	vld [tilespmem:s5+$0xFFFFFF70]  }
0x161: {  	v26 =	vmul.f32 v13, v4;
	v24 =	vld [tilespmem:s5+$0xFFFFFF80]  }
0x162: {  	v23 =	vld [tilespmem:s5+$0xFFFFFE90];
	v19 =	vadd.f32 v10, v11;
	v27 =	vmul.f32 v25, v7;
	v25 =	vadd.f32 v12, v28;
	s5 =	sadd.s32 $0x180, s5  }
0x163: {  	v28 =	vld [tilespmem:s17+$0xFFFFFF90]  }
0x164: {  	v29 =	vld [tilespmem:s17+$0xFFFFFFA0]  }
0x165: {  	v30 =	vld [tilespmem:s17+$0xFFFFFFB0]  }
0x166: {  	v31 =	vld [tilespmem:s17+$0xFFFFFFC0]  }
0x167: {  	v32 =	vld [tilespmem:s17+$0xFFFFFFD0]  }
0x168: {  	v33 =	vld [tilespmem:s17+$0xFFFFFFE0]  }
0x169: {  	v8 =	vmul.f32 v20, v8;
	v20 =	vld [tilespmem:s17+$0xFFFFFFF0]  }
0x16a: {  	v55 =	vld [tilespmem:s17+$0xFFFFFED0]  }
0x16b: {  	v57 =	vld [tilespmem:s17+$0xFFFFFEE0]  }
0x16c: {  	s5 =	sor.u32 $0x80, s19;
	v59 =	vld [tilespmem:s17+$0xFFFFFEF0]  }
0x16d: {  	s5 =	sand.u32 $0x3FFFFF80, s5;
	v9 =	vmul.f32 v21, v9;
	v21 =	vld [tilespmem:s17+$0x0]  }
0x16e: {  	v3 =	vld [tilespmem:s5+$0x3400]  }
0x16f: {  	v4 =	vld [tilespmem:s5+$0x3410]  }
0x170: {  	v7 =	vld [tilespmem:s5+$0x3420]  }
0x171: {  	v14 =	vld [tilespmem:s5+$0x3430]  }
0x172: {  	v10 =	vld [tilespmem:s5+$0x3440]  }
0x173: {  	v11 =	vld [tilespmem:s5+$0x3450];
	v5 =	vmul.f32 v22, v5;
	v6 =	vmul.f32 v24, v6  }
0x174: {  	v12 =	vld [tilespmem:s5+$0x3460];
	v22 =	vadd.f32 v27, v26;
	v2 =	vmul.f32 v23, v2  }
0x175: {  	v13 =	vld [tilespmem:s5+$0x3470];
	v8 =	vadd.f32 v9, v8;
	v5 =	vadd.f32 v6, v5  }
0x176: {  	v60 =	vld [tilespmem:s17+$0xFFFFFF40];
	v9 =	vadd.f32 v22, v25;
	v2 =	vadd.f32 v17, v2  }
0x177: {  	v6 =	vld [tilespmem:s17+$0xFFFFFEB0];
	v5 =	vadd.f32 v5, v8;
	v8 =	vmul.f32 v28, v3;
	v22 =	vmul.f32 v29, v4  }
0x178: {  	v17 =	vld [tilespmem:s17+$0xFFFFFEC0];
	v56 =	vmul.f32 v31, v14;
	v58 =	vmul.f32 v33, v11;
	v2 =	vadd.f32 v18, v2  }
0x179: {  	v23 =	vld [tilespmem:s17+$0xFFFFFEA0];
	v18 =	vmul.f32 v30, v7;
	v5 =	vadd.f32 v5, v9;
	v9 =	vmul.f32 v32, v10  }
0x17a: {  	v2 =	vadd.f32 v19, v2;
	v19 =	vmul.f32 v20, v12;
	v20 =	vmul.f32 v21, v13;
	v21 =	vld [tilespmem:s17+$0xFFFFFF00]  }
0x17b: {  	[tilespmem:v16+s25+$0x0] =	vst.idx.msk $0xffff, v5;
	v5 =	vadd.f32 v22, v8;
	v8 =	vadd.f32 v56, v18;
	v18 =	vld [tilespmem:s17+$0xFFFFFF10]  }
0x17c: {  	v6 =	vmul.f32 v6, v7;
	v9 =	vadd.f32 v58, v9;
	v16 =	vadd.f32 v20, v19;
	v19 =	vld [tilespmem:s17+$0xFFFFFF20]  }
0x17d: {  	v22 =	vld [tilespmem:s17+$0xFFFFFF30];
	[tilespmem:v15+s25+$0x0] =	vst.idx.msk $0xffff, v2;
	v2 =	vmul.f32 v17, v14;
	v20 =	vadd.s32 s16, v0;
	v17 =	vmul.f32 v55, v10  }
0x17e: {  	v8 =	vadd.f32 v8, v5;
	v9 =	vadd.f32 v16, v9;
	v16 =	vmul.f32 v57, v11  }
0x17f: {  	v15 =	vld [tilespmem:s17+$0xFFFFFF50];
	v6 =	vadd.f32 v2, v6;
	v2 =	vmul.f32 v59, v12;
	v21 =	vmul.f32 v21, v13  }
0x180: {  	v5 =	vmul.f32 v23, v4;
	v9 =	vadd.f32 v9, v8;
	v23 =	vadd.f32 v16, v17;
	v16 =	vld [tilespmem:s17+$0xFFFFFF60]  }
0x181: {  	s6 =	sadd.s32 $0xFFFFFFF0, s16;
	v61 =	vmul.f32 v18, v3;
	v17 =	vld [tilespmem:s17+$0xFFFFFF70];
	v62 =	vadd.f32 v21, v2;
	v63 =	vmul.f32 v19, v4  }
0x182: {  	s29 =	sadd.s32 $0xFFFFFFE0, s16;
	v8 =	vadd.s32 s6, v0;
	v21 =	vmul.f32 v22, v7;
	v19 =	vld [tilespmem:s17+$0xFFFFFF80];
	v22 =	vmul.f32 v60, v14  }
0x183: {  	s11 =	simm.s32 $0x0;
	s5 =	sadd.s32 $0x180, s17;
	v18 =	vld [tilespmem:s17+$0xFFFFFE90];
	s6 =	smov.u32 s16;
	v2 =	vadd.s32 s29, v0;
	[tilespmem:v20+s25+$0x0] =	vst.idx.msk $0xffff, v9;
	v9 =	vadd.f32 v62, v23;
	v20 =	vadd.f32 v63, v61  }
.LBB2_14:
0x184: {  	v23 =	vld [tilespmem:s5+$0xFFFFFF90];
	v15 =	vmul.f32 v15, v10  }
0x185: {  	v24 =	vld [tilespmem:s5+$0xFFFFFFA0];
	v16 =	vmul.f32 v16, v11;
	v21 =	vadd.f32 v22, v21  }
0x186: {  	v22 =	vld [tilespmem:s5+$0xFFFFFFB0];
	v17 =	vmul.f32 v17, v12  }
0x187: {  	v25 =	vld [tilespmem:s5+$0xFFFFFFC0];
	v19 =	vmul.f32 v19, v13;
	v15 =	vadd.f32 v16, v15;
	v16 =	vadd.f32 v21, v20  }
0x188: {  	v20 =	vld [tilespmem:s5+$0xFFFFFFD0];
	v18 =	vmul.f32 v18, v3  }
0x189: {  	v21 =	vld [tilespmem:s5+$0xFFFFFFE0];
	v17 =	vadd.f32 v19, v17  }
0x18a: {  	v19 =	vld [tilespmem:s5+$0xFFFFFFF0];
	v5 =	vadd.f32 v5, v18  }
0x18b: {  	s11 =	sadd.s32 $0x3, s11;
	v18 =	vld [tilespmem:s5+$0x0];
	v15 =	vadd.f32 v17, v15  }
0x18c: {  	p0 =	slt.u32 s11, $0x12;
	v17 =	vld [tilespmem:s5+$0xFFFFFEA0];
	v5 =	vadd.f32 v6, v5  }
0x18d: {  	v23 =	vmul.f32 v23, v3;
	v24 =	vmul.f32 v24, v4;
	v6 =	vld [tilespmem:s5+$0xFFFFFEB0];
	v15 =	vadd.f32 v15, v16  }
0x18e: {  	v22 =	vmul.f32 v22, v7;
	v25 =	vmul.f32 v25, v14;
	v16 =	vld [tilespmem:s5+$0xFFFFFEC0];
	v5 =	vadd.f32 v9, v5  }
0x18f: {  	v20 =	vmul.f32 v20, v10;
	v21 =	vmul.f32 v21, v11;
	v9 =	vld [tilespmem:s5+$0xFFFFFED0];
	[tilespmem:v8+s25+$0x0] =	vst.idx.msk $0xffff, v15  }
0x190: {  	v15 =	vmul.f32 v19, v12;
	v8 =	vld [tilespmem:s5+$0xFFFFFEE0];
	v18 =	vmul.f32 v18, v13;
	[tilespmem:v2+s25+$0x0] =	vst.idx.msk $0xffff, v5  }
0x191: {  	v19 =	vadd.f32 v25, v22;
	v2 =	vadd.f32 v24, v23;
	v5 =	vmul.f32 v17, v4;
	v17 =	vld [tilespmem:s5+$0xFFFFFEF0]  }
0x192: {  	s6 =	sadd.s32 $0x30, s6;
	v20 =	vadd.f32 v21, v20;
	v6 =	vmul.f32 v6, v7;
	v22 =	vld [tilespmem:s5+$0xFFFFFF00];
	v15 =	vadd.f32 v18, v15  }
0x193: {  	s7 =	sadd.s32 $0xFFFFFFE0, s6;
	s8 =	sadd.s32 $0xFFFFFFF0, s6;
	v21 =	vadd.s32 s6, v0;
	v16 =	vmul.f32 v16, v14;
	v18 =	vld [tilespmem:s5+$0xFFFFFF10]  }
0x194: {  	v19 =	vadd.f32 v19, v2;
	v9 =	vmul.f32 v9, v10;
	v23 =	vld [tilespmem:s5+$0xFFFFFF20];
	v15 =	vadd.f32 v15, v20  }
0x195: {  	v2 =	vadd.s32 s7, v0;
	v20 =	vmul.f32 v8, v11;
	v6 =	vadd.f32 v16, v6;
	v24 =	vld [tilespmem:s5+$0xFFFFFF30]  }
0x196: {  	v8 =	vadd.s32 s8, v0;
	v17 =	vmul.f32 v17, v12;
	v25 =	vld [tilespmem:s5+$0xFFFFFF40];
	v19 =	vadd.f32 v15, v19  }
.Ltmp5:
0x197: {  	v22 =	vmul.f32 v22, v13;
	v9 =	vadd.f32 v20, v9;
	v15 =	vld [tilespmem:s5+$0xFFFFFF50];
	(pc) =	sbr.rel @p0 .LBB2_14-.Ltmp5, $4  }
0x198: {  	v20 =	vmul.f32 v18, v3;
	v16 =	vld [tilespmem:s5+$0xFFFFFF60];
	[tilespmem:v21+s25+$0x0] =	vst.idx.msk $0xffff, v19  }
0x199: {  	v22 =	vadd.f32 v22, v17;
	v23 =	vmul.f32 v23, v4;
	v17 =	vld [tilespmem:s5+$0xFFFFFF70]  }
0x19a: {  	v21 =	vmul.f32 v24, v7;
	v19 =	vld [tilespmem:s5+$0xFFFFFF80]  }
0x19b: {  	v18 =	vld [tilespmem:s5+$0xFFFFFE90];
	v9 =	vadd.f32 v22, v9;
	v22 =	vmul.f32 v25, v14;
	v20 =	vadd.f32 v23, v20;
	s5 =	sadd.s32 $0x180, s5  }
0x19c: {  	_ =	sdelay $0x1  }
0x19d: {  	v4 =	vmul.f32 v15, v10;
	v7 =	vmul.f32 v16, v11  }
0x19e: {  	v59 =	vmul.f32 v17, v12;
	v60 =	vmul.f32 v19, v13  }
0x19f: {  	v61 =	vadd.f32 v22, v21;
	v3 =	vmul.f32 v18, v3  }
0x1a0: {  	v4 =	vadd.f32 v7, v4;
	v62 =	vadd.f32 v60, v59  }
0x1a1: {  	v3 =	vadd.f32 v5, v3  }
0x1a2: {  	p0 =	slt.u32 s18, $0xE;
	v63 =	vadd.f32 v61, v20;
	v4 =	vadd.f32 v62, v4  }
.Ltmp6:
0x1a3: {  	v3 =	vadd.f32 v6, v3;
	(pc) =	sbr.rel @p0 .LBB2_11-.Ltmp6, $4  }
0x1a4: {  	v4 =	vadd.f32 v4, v63  }
0x1a5: {  	v3 =	vadd.f32 v9, v3  }
0x1a6: {  	s5 =	sadd.s32 $0x2, s18;
	s13 =	sadd.s32 $0x2, s13;
	s15 =	sadd.s32 $0x1500, s15;
	[tilespmem:v8+s25+$0x0] =	vst.idx.msk $0xffff, v4  }
0x1a7: {  	s16 =	sadd.s32 $0x2, s16;
	s17 =	sadd.s32 $0x1500, s17;
	s18 =	smov.u32 s5;
	[tilespmem:v2+s25+$0x0] =	vst.idx.msk $0xffff, v3  }
0x1a8: {  	v2 =	vld [tilespmem:$0x18C00]  }
0x1a9: {  	v3 =	vld [tilespmem:$0x18D50];
	_ =	sdelay $0x1  }
0x1aa: {  	v4 =	vld [tilespmem:$0x18EA0];
	_ =	sdelay $0x1  }
0x1ab: {  	v5 =	vld [tilespmem:$0x18FF0]  }
0x1ac: {  	v2 =	vadd.f32 v3, v2  }
0x1ad: {  	v3 =	vld [tilespmem:$0x19140]  }
0x1ae: {  	v2 =	vadd.f32 v4, v2  }
0x1af: {  	v4 =	vld [tilespmem:$0x19290]  }
0x1b0: {  	v2 =	vadd.f32 v5, v2  }
0x1b1: {  	v5 =	vld [tilespmem:$0x193E0]  }
0x1b2: {  	v2 =	vadd.f32 v3, v2  }
0x1b3: {  	v3 =	vld [tilespmem:$0x19530]  }
0x1b4: {  	v2 =	vadd.f32 v4, v2  }
0x1b5: {  	v4 =	vld [tilespmem:$0x19680]  }
0x1b6: {  	v2 =	vadd.f32 v5, v2  }
0x1b7: {  	v5 =	vld [tilespmem:$0x197D0]  }
0x1b8: {  	v2 =	vadd.f32 v3, v2  }
0x1b9: {  	v3 =	vld [tilespmem:$0x19920]  }
0x1ba: {  	v2 =	vadd.f32 v4, v2  }
0x1bb: {  	v4 =	vld [tilespmem:$0x19A70]  }
0x1bc: {  	v2 =	vadd.f32 v5, v2  }
0x1bd: {  	v5 =	vld [tilespmem:$0x19BC0]  }
0x1be: {  	v2 =	vadd.f32 v3, v2  }
0x1bf: {  	v3 =	vld [tilespmem:$0x19D10]  }
0x1c0: {  	v2 =	vadd.f32 v4, v2  }
0x1c1: {  	v4 =	vld [tilespmem:$0x19E60]  }
0x1c2: {  	v2 =	vadd.f32 v5, v2  }
0x1c3: {  	v5 =	vld [tilespmem:$0x19FB0]  }
0x1c4: {  	v2 =	vadd.f32 v3, v2;
	_ =	sdelay $0x1  }
0x1c5: {  	v2 =	vadd.f32 v4, v2;
	_ =	sdelay $0x1  }
0x1c6: {  	v2 =	vadd.f32 v5, v2;
	_ =	sdelay $0x1  }
0x1c7: {  	v2 =	vmax.f32 v2, $-1.000000000e+01  }
0x1c8: {  	v2 =	vmin.f32 v2, $1.000000000e+01  }
0x1c9: {  	s5 =	simm.s32 $0x197E0;
	[tilespmem:s3+$0x1A100] =	vst v2  }
0x1ca: {  	v2 =	vld [tilespmem:s5+$0xFFFFF440]  }
0x1cb: {  	v3 =	vld [tilespmem:s5+$0xFFFFF590]  }
0x1cc: {  	v4 =	vld [tilespmem:s5+$0xFFFFF580]  }
0x1cd: {  	v5 =	vld [tilespmem:s5+$0xFFFFF6E0]  }
0x1ce: {  	v6 =	vld [tilespmem:s5+$0xFFFFF430]  }
0x1cf: {  	v7 =	vld [tilespmem:s5+$0xFFFFF830]  }
0x1d0: {  	v8 =	vld [tilespmem:s5+$0xFFFFF6D0];
	v2 =	vadd.f32 v3, v2  }
0x1d1: {  	v3 =	vld [tilespmem:s5+$0xFFFFF980]  }
0x1d2: {  	v9 =	vld [tilespmem:s5+$0xFFFFF820];
	v2 =	vadd.f32 v5, v2  }
0x1d3: {  	v4 =	vadd.f32 v4, v6;
	v5 =	vld [tilespmem:s5+$0xFFFFFAD0]  }
0x1d4: {  	v6 =	vld [tilespmem:s5+$0xFFFFF970];
	v2 =	vadd.f32 v7, v2  }
0x1d5: {  	v4 =	vadd.f32 v8, v4;
	v7 =	vld [tilespmem:s5+$0xFFFFFC20]  }
0x1d6: {  	v8 =	vld [tilespmem:s5+$0xFFFFFAC0];
	v2 =	vadd.f32 v3, v2  }
0x1d7: {  	s29 =	simm.s32 $0x20;
	v3 =	vadd.f32 v9, v4;
	v4 =	vld [tilespmem:s5+$0xFFFFFD70]  }
0x1d8: {  	s3 =	sand.u32 $0x3F0, s29;
	v9 =	vld [tilespmem:s5+$0xFFFFFC10];
	v2 =	vadd.f32 v5, v2  }
0x1d9: {  	v3 =	vadd.f32 v6, v3;
	v5 =	vld [tilespmem:s3+$0x19680]  }
0x1da: {  	s3 =	simm.s32 $0x10;
	v6 =	vld [tilespmem:s5+$0xFFFFFD60];
	v2 =	vadd.f32 v7, v2  }
0x1db: {  	s6 =	sand.u32 $0x1F0, s3;
	v3 =	vadd.f32 v8, v3;
	v7 =	vld [tilespmem:s5+$0x10]  }
0x1dc: {  	v8 =	vld [tilespmem:s6+$0x19680];
	v2 =	vadd.f32 v4, v2  }
0x1dd: {  	v3 =	vadd.f32 v9, v3;
	v4 =	vld [tilespmem:s5+$0x160]  }
0x1de: {  	v9 =	vld [tilespmem:s5+$0x0];
	v2 =	vadd.f32 v5, v2  }
0x1df: {  	v3 =	vadd.f32 v6, v3;
	v5 =	vld [tilespmem:s5+$0x2B0]  }
0x1e0: {  	v6 =	vld [tilespmem:s5+$0x150];
	v2 =	vadd.f32 v7, v2  }
0x1e1: {  	v3 =	vadd.f32 v8, v3;
	v7 =	vld [tilespmem:s5+$0x400]  }
0x1e2: {  	v8 =	vld [tilespmem:s5+$0x2A0];
	v2 =	vadd.f32 v4, v2  }
0x1e3: {  	v3 =	vadd.f32 v9, v3;
	v9 =	vld [tilespmem:s5+$0x550]  }
0x1e4: {  	v10 =	vld [tilespmem:s5+$0x3F0];
	v2 =	vadd.f32 v5, v2  }
0x1e5: {  	v3 =	vadd.f32 v6, v3;
	v5 =	vld [tilespmem:s5+$0x6A0]  }
0x1e6: {  	v6 =	vld [tilespmem:s5+$0x540];
	v7 =	vadd.f32 v7, v2  }
0x1e7: {  	v3 =	vadd.f32 v8, v3;
	v2 =	vld [tilespmem:s5+$0x7F0]  }
0x1e8: {  	v4 =	vld [tilespmem:s5+$0x690];
	v7 =	vadd.f32 v9, v7  }
0x1e9: {  	s13 =	simm.s32 $0x1;
	s15 =	simm.s32 $0x19800;
	v8 =	vadd.f32 v10, v3;
	v3 =	vld [tilespmem:s5+$0x7E0];
	s5 =	sadd.s32 $0xFFFFFFFF, s31  }
.LBB2_17:
0x1ea: {  	v9 =	vld [tilespmem:s15+$0xFFFFF440];
	s6 =	sadd.s32 $0x142, s5;
	s7 =	sadd.s32 $0x141, s5;
	v5 =	vadd.f32 v5, v7;
	s5 =	smov.u32 s13  }
0x1eb: {  	s13 =	sadd.s32 $0x2, s13;
	v7 =	vld [tilespmem:s15+$0xFFFFF590];
	v6 =	vadd.f32 v6, v8;
	v8 =	vadd.s32 s7, v1;
	v10 =	vadd.s32 s6, v1  }
0x1ec: {  	p0 =	slt.u32 s13, $0x13;
	v11 =	vld [tilespmem:s15+$0xFFFFF580];
	v2 =	vadd.f32 v2, v5  }
0x1ed: {  	v5 =	vld [tilespmem:s15+$0xFFFFF6E0];
	v4 =	vadd.f32 v4, v6  }
0x1ee: {  	v6 =	vld [tilespmem:s15+$0xFFFFF430];
	v2 =	vmax.f32 v2, $-1.000000000e+01  }
0x1ef: {  	v12 =	vld [tilespmem:s15+$0xFFFFF830];
	v3 =	vadd.f32 v3, v4;
	v2 =	vmin.f32 v2, $1.000000000e+01  }
0x1f0: {  	v4 =	vld [tilespmem:s15+$0xFFFFF6D0];
	v7 =	vadd.f32 v7, v9;
	[tilespmem:v10+s26+$0x0] =	vst.idx.msk $0xffff, v2  }
0x1f1: {  	v2 =	vld [tilespmem:s15+$0xFFFFF980];
	v3 =	vmax.f32 v3, $-1.000000000e+01  }
0x1f2: {  	v9 =	vld [tilespmem:s15+$0xFFFFF820];
	v5 =	vadd.f32 v5, v7;
	v3 =	vmin.f32 v3, $1.000000000e+01  }
0x1f3: {  	v6 =	vadd.f32 v11, v6;
	v7 =	vld [tilespmem:s15+$0xFFFFFAD0];
	[tilespmem:v8+s26+$0x0] =	vst.idx.msk $0xffff, v3  }
0x1f4: {  	v3 =	vld [tilespmem:s15+$0xFFFFF970];
	v5 =	vadd.f32 v12, v5  }
0x1f5: {  	v4 =	vadd.f32 v4, v6;
	v6 =	vld [tilespmem:s15+$0xFFFFFC20]  }
0x1f6: {  	s3 =	sadd.s32 $0x20, s3;
	v8 =	vld [tilespmem:s15+$0xFFFFFAC0];
	v2 =	vadd.f32 v2, v5  }
0x1f7: {  	s6 =	sand.u32 $0x1F0, s3;
	s7 =	sadd.s32 $0x10, s3;
	v4 =	vadd.f32 v9, v4;
	v5 =	vld [tilespmem:s15+$0xFFFFFD70]  }
0x1f8: {  	s7 =	sand.u32 $0x3F0, s7;
	v9 =	vld [tilespmem:s15+$0xFFFFFC10];
	v2 =	vadd.f32 v7, v2  }
0x1f9: {  	v3 =	vadd.f32 v3, v4;
	v4 =	vld [tilespmem:s7+$0x19680]  }
0x1fa: {  	v7 =	vld [tilespmem:s15+$0xFFFFFD60];
	v2 =	vadd.f32 v6, v2  }
0x1fb: {  	v3 =	vadd.f32 v8, v3;
	v6 =	vld [tilespmem:s15+$0x10]  }
0x1fc: {  	v8 =	vld [tilespmem:s6+$0x19680];
	v2 =	vadd.f32 v5, v2  }
0x1fd: {  	v3 =	vadd.f32 v9, v3;
	v5 =	vld [tilespmem:s15+$0x160]  }
0x1fe: {  	v9 =	vld [tilespmem:s15+$0x0];
	v2 =	vadd.f32 v4, v2  }
0x1ff: {  	v3 =	vadd.f32 v7, v3;
	v4 =	vld [tilespmem:s15+$0x2B0]  }
0x200: {  	v7 =	vld [tilespmem:s15+$0x150];
	v2 =	vadd.f32 v6, v2  }
0x201: {  	v3 =	vadd.f32 v8, v3;
	v8 =	vld [tilespmem:s15+$0x400]  }
0x202: {  	v10 =	vld [tilespmem:s15+$0x2A0];
	v2 =	vadd.f32 v5, v2  }
0x203: {  	v3 =	vadd.f32 v9, v3;
	v9 =	vld [tilespmem:s15+$0x550]  }
0x204: {  	v11 =	vld [tilespmem:s15+$0x3F0];
	v2 =	vadd.f32 v4, v2  }
.Ltmp7:
0x205: {  	v3 =	vadd.f32 v7, v3;
	v5 =	vld [tilespmem:s15+$0x6A0];
	(pc) =	sbr.rel @p0 .LBB2_17-.Ltmp7, $4  }
0x206: {  	v6 =	vld [tilespmem:s15+$0x540];
	v7 =	vadd.f32 v8, v2  }
0x207: {  	v3 =	vadd.f32 v10, v3;
	v2 =	vld [tilespmem:s15+$0x7F0]  }
0x208: {  	v4 =	vld [tilespmem:s15+$0x690];
	v7 =	vadd.f32 v9, v7  }
0x209: {  	s5 =	sadd.s32 s5, s31;
	v8 =	vadd.f32 v11, v3;
	v3 =	vld [tilespmem:s15+$0x7E0];
	s15 =	sadd.s32 $0x20, s15  }
0x20a: {  	_ = 	snop  }
0x20b: {  	v6 =	vadd.f32 v6, v8  }
0x20c: {  	s3 =	sadd.s32 $0x142, s5;
	v5 =	vadd.f32 v5, v7  }
0x20d: {  	s29 =	sadd.s32 $0x141, s5;
	s0 =	sadd.s32 $0x1, s0;
	v62 =	vadd.s32 s3, v1;
	v4 =	vadd.f32 v4, v6  }
0x20e: {  	v63 =	vadd.s32 s29, v1;
	p0 =	sne.s32 s0, $0x10;
	v2 =	vadd.f32 v2, v5  }
.Ltmp8:
0x20f: {  	v3 =	vadd.f32 v3, v4;
	(pc) =	sbr.rel @p0 .LBB2_2-.Ltmp8, $4  }
0x210: {  	v2 =	vmax.f32 v2, $-1.000000000e+01  }
0x211: {  	v2 =	vmin.f32 v2, $1.000000000e+01;
	v3 =	vmax.f32 v3, $-1.000000000e+01  }
0x212: {  	[tilespmem:v62+s26+$0x0] =	vst.idx.msk $0xffff, v2;
	v2 =	vmin.f32 v3, $1.000000000e+01  }
0x213: {  	s31 =	sadd.s32 $0x280, s31;
	[tilespmem:v63+s26+$0x0] =	vst.idx.msk $0xffff, v2  }
0x214: {  	s0 =	rddreg [dreg:$0x9];
	s3 =	simm.s32 $0x1A100  }
0x215: {  	[hbm4b:s0+s4] =	stream.linear.scatter [tilespmem:s3], [sflag:$0x3], $0x200, $0x38;
	[tilespmem:$0x1CB00] =	vst v63  }
0x216: {  	s30 =	sadd.s32 $0x1, s30;
	_ =	swait.ge [sflag:s10], $0x200  }
0x217: {  	p0 =	sne.s32 s30, s9;
	[sflag:s10] =	ssyncset.done $0x0  }
.Ltmp9:
0x218: {  	s31 =	rddreg [dreg:$0xa];
	[sflag:s10] =	ssyncadd.s32 $0xFFFFFE00;
	(pc) =	sbr.rel @p0 .LBB2_1-.Ltmp9, $4  }
0x219: {  	[hbm4b:s31+s4] =	stream.linear.scatter [tilespmem:s26], [sflag:$0x3], $0x2800, $0x38;
	[tilespmem:$0x1CB00] =	vst v63  }
0x21a: {  	_ =	swait.ge [sflag:s10], $0x2800  }
0x21b: {  	[sflag:s10] =	ssyncset.done $0x0  }
0x21c: {  	[sflag:s10] =	ssyncadd.s32 $0xFFFFD800  }
0x21d: {  	_ =	sfence.sel $0x180000  }
0x21e: {  	[bflag:$0x0] =	sbarrier.arrive $0xFFFF  }
0x21f: {  	_ =	strace $0x90000047  }
0x220: {  	s0 =	stileid.u32;
	[bflag:$0x2] =	sbarrier.arrive $0xFFFF  }
0x221: {  	p0 =	sne.s32 s0, $0x0;
	s0 =	rddreg [dreg:$0x6]  }
0x222: {  	s0 =	sadd.s32 @!p0 $0x100000, s0  }
0x223: {  	[sflag:s0] =	ssyncadd.tile.s32 @!p0 $0x1;
	_ =	shalt  }
.Lfunc_end2:
_tile_overlayer_lowered:
.L_overlay_start_2:
0x224: {  	(tag) =	ssettag $0x2  }
0x225: {  	s0 =	rddreg [dreg:$0x0];
	s2 =	stileid.u32  }
0x226: {  	s1 =	rddreg [dreg:$0x1];
	p0 =	sne.s32 s2, $0x0  }
0x227: {  	s3 =	rddreg [dreg:$0x2];
	[bflag:$0x3] =	sbarrier.arrive $0xFFFF;
	s2 =	simm.s32 @!p0 $0x1C03  }
0x228: {  	[timem:s3], [sflag:s2] =	dma.local @!p0 [hbm:s0], s1  }
0x229: {  	s0 =	simm.s32 @!p0 $0x3  }
0x22a: {  	_ =	swait.ge @!p0 [sflag:s0], s1  }
0x22b: {  	s1 =	ssub.s32 @!p0 $0x0, s1;
	[sflag:s0] =	ssyncset.done @!p0 $0x0  }
0x22c: {  	[sflag:s0] =	ssyncadd.s32 @!p0 s1  }
0x22d: {  	[bflag:$0x3] =	sbarrier.arrive $0xFFFF  }
0x22e: {  	_ =	shalt  }

</sc_bundles>
